<compile_context>
chip_gen: v7x
topology: tpu7x:2x2x1
jax: 0.10.2.dev20260603
libtpu: 0.0.44.dev20260713+nightly
codegen_flags: <defaults>
</compile_context>

<pallas_src>
import functools

import jax
import jax.numpy as jnp
from jax import lax
from jax.experimental import pallas as pl
from jax.experimental.pallas import tpu as pltpu
from jax.experimental.pallas import tpu_sc as plsc

B = 4096
L = 200
EMB = 32
N = B * L
NC = 2
NS = 16
NW = NC * NS
BPW = B // NW
PER = BPW * L
CH = L
NCH = BPW
NSLOT = 4


def _build():
    mesh = plsc.VectorSubcoreMesh(core_axis_name="c", subcore_axis_name="s")

    @functools.partial(
        pl.kernel,
        mesh=mesh,
        compiler_params=pltpu.CompilerParams(use_tc_tiling_on_sc=False),
        out_type=jax.ShapeDtypeStruct((B, L, 128), jnp.float32),
        scratch_types=(
            [pltpu.VMEM((PER,), jnp.int32),
             pltpu.VMEM((PER,), jnp.int32)] +
            [pltpu.VMEM((CH, EMB), jnp.float32) for _ in range(NSLOT)] +
            [pltpu.SemaphoreType.DMA for _ in range(3 * NSLOT)]
        ),
    )
    def emb_add(seq_hbm, pidx_hbm, emb_hbm, ptab_hbm, out_hbm,
                sidx, qidx, b0, b1, b2, b3, *sems):
        buf = (b0, b1, b2, b3)
        psem = sems[0:NSLOT]
        asem = sems[NSLOT:2 * NSLOT]
        osem = sems[2 * NSLOT:3 * NSLOT]

        cid = lax.axis_index("c")
        sid = lax.axis_index("s")
        wid = sid * NC + cid
        base = wid * PER
        bbase = wid * BPW

        pltpu.sync_copy(seq_hbm.at[pl.ds(base, PER)], sidx)
        pltpu.sync_copy(pidx_hbm.at[pl.ds(base, PER)], qidx)

        def pos_gather(c, s):
            pltpu.async_copy(ptab_hbm.at[qidx.at[pl.ds(c * CH, CH)]],
                             buf[s], psem[s])

        def wait_pos(c, s):
            pltpu.make_async_copy(ptab_hbm.at[qidx.at[pl.ds(c * CH, CH)]],
                                  buf[s], psem[s]).wait()

        def emb_gather_add(c, s):
            pltpu.async_copy(emb_hbm.at[sidx.at[pl.ds(c * CH, CH)]],
                             buf[s], asem[s], add=True)

        def wait_emb(c, s):
            pltpu.make_async_copy(emb_hbm.at[sidx.at[pl.ds(c * CH, CH)]],
                                  buf[s], asem[s]).wait()

        def out_copy(c, s):
            pltpu.async_copy(buf[s],
                             out_hbm.at[bbase + c, :, pl.ds(0, EMB)],
                             osem[s])

        def wait_out(c, s):
            pltpu.make_async_copy(buf[s],
                                  out_hbm.at[bbase + c, :, pl.ds(0, EMB)],
                                  osem[s]).wait()

        pos_gather(0, 0)
        pos_gather(1, 1)

        def body(c, k):
            @pl.when(c >= NSLOT - 2)
            def _():
                wait_out(c - (NSLOT - 2), (k + 2) % NSLOT)

            @pl.when(c + 2 < NCH)
            def _():
                pos_gather(c + 2, (k + 2) % NSLOT)

            wait_pos(c, k)
            emb_gather_add(c, k)

            @pl.when(c >= 1)
            def _():
                wait_emb(c - 1, (k + NSLOT - 1) % NSLOT)
                out_copy(c - 1, (k + NSLOT - 1) % NSLOT)

        def outer(c4, carry):
            for k in range(NSLOT):
                body(c4 * NSLOT + k, k)
            return carry

        lax.fori_loop(0, NCH // NSLOT, outer, None)

        wait_emb(NCH - 1, (NCH - 1) % NSLOT)
        out_copy(NCH - 1, (NCH - 1) % NSLOT)
        wait_out(NCH - 2, (NCH - 2) % NSLOT)
        wait_out(NCH - 1, (NCH - 1) % NSLOT)

    return emb_add


_EMB_ADD = _build()


def kernel(seq, seq_pos, emb_table, pos_table):
    seq_f = seq.reshape(N).astype(jnp.int32)
    pos_f = seq_pos.reshape(N).astype(jnp.int32)
    out = _EMB_ADD(seq_f, pos_f, emb_table, pos_table)
    return out[:, :, :EMB]

# --- scband reference (transcript-rebuilt; emitter-appended) ---
"""Pipeline reference for scband-sequence-embeddings-4243427688961 (READ-ONLY COPY).

The authoritative reference and input builder live on the scoring server;
editing this copy changes nothing except your own understanding.
"""

import jax, jax.numpy as jnp
import numpy as np

VOCAB = 1000000
NPOS = 256
EMB = 32
B = 4096
L = 200


def setup_inputs(seed: int = 0) -> dict:
    key = jax.random.key(seed)
    k1, k2, k3, k4 = jax.random.split(key, 4)
    seq = jax.random.randint(k1, (B, L), 0, VOCAB, dtype=jnp.int64) if jax.config.jax_enable_x64 else jax.random.randint(k1, (B, L), 0, VOCAB, dtype=jnp.int32)
    seq_pos = jax.random.randint(k2, (B, L), 0, NPOS, dtype=jnp.int32)
    emb_table = jax.random.normal(k3, (VOCAB, EMB), dtype=jnp.float32) * 0.02
    pos_table = jax.random.normal(k4, (NPOS, EMB), dtype=jnp.float32) * 0.02
    # padding_idx=0 for pos_embeddings: row 0 initialized to zeros
    pos_table = pos_table.at[0].set(0.0)
    return {"seq": seq, "seq_pos": seq_pos, "emb_table": emb_table, "pos_table": pos_table}


def reference(seq, seq_pos, emb_table, pos_table):
    tok = jnp.take(emb_table, seq, axis=0)
    pos = jnp.take(pos_table, seq_pos, axis=0)
    return tok + pos

if __name__ == "__main__":
    import jax
    _d = setup_inputs()
    print(jax.jit(kernel)(*tuple(_d.values())))

</pallas_src>

<mosaic_0001>
#map = affine_map<(d0, d1) -> (0)>
#map1 = affine_map<(d0, d1) -> (0, 0)>
#map2 = affine_map<(d0, d1) -> (0, 0, 0)>
module attributes {stable_mosaic.version = 14 : i64} {
  func.func @emb_add(%arg0: i32, %arg1: i32, %arg2: memref<819200xi32, #tpu.memory_space<hbm>>, %arg3: memref<819200xi32, #tpu.memory_space<hbm>>, %arg4: memref<1000000x32xf32, #tpu.memory_space<hbm>>, %arg5: memref<256x32xf32, #tpu.memory_space<hbm>>, %arg6: memref<4096x200x128xf32, #tpu.memory_space<hbm>>, %arg7: memref<25600xi32, #tpu.memory_space<vmem>>, %arg8: memref<25600xi32, #tpu.memory_space<vmem>>, %arg9: memref<200x32xf32, #tpu.memory_space<vmem>>, %arg10: memref<200x32xf32, #tpu.memory_space<vmem>>, %arg11: memref<200x32xf32, #tpu.memory_space<vmem>>, %arg12: memref<200x32xf32, #tpu.memory_space<vmem>>, %arg13: memref<!tpu.dma_semaphore, #tpu.memory_space<semaphore_mem>>, %arg14: memref<!tpu.dma_semaphore, #tpu.memory_space<semaphore_mem>>, %arg15: memref<!tpu.dma_semaphore, #tpu.memory_space<semaphore_mem>>, %arg16: memref<!tpu.dma_semaphore, #tpu.memory_space<semaphore_mem>>, %arg17: memref<!tpu.dma_semaphore, #tpu.memory_space<semaphore_mem>>, %arg18: memref<!tpu.dma_semaphore, #tpu.memory_space<semaphore_mem>>, %arg19: memref<!tpu.dma_semaphore, #tpu.memory_space<semaphore_mem>>, %arg20: memref<!tpu.dma_semaphore, #tpu.memory_space<semaphore_mem>>, %arg21: memref<!tpu.dma_semaphore, #tpu.memory_space<semaphore_mem>>, %arg22: memref<!tpu.dma_semaphore, #tpu.memory_space<semaphore_mem>>, %arg23: memref<!tpu.dma_semaphore, #tpu.memory_space<semaphore_mem>>, %arg24: memref<!tpu.dma_semaphore, #tpu.memory_space<semaphore_mem>>) attributes {dimension_semantics = [#tpu.dimension_semantics<core_parallel>, #tpu.dimension_semantics<subcore_parallel>], iteration_bounds = array<i64: 2, 16>, scalar_prefetch = 0 : i64, scratch_operands = 18 : i64, tpu.core_type = #tpu.core_type<sc_vector_subcore>, window_params = [{transform_indices = #map}, {transform_indices = #map}, {transform_indices = #map1}, {transform_indices = #map1}, {transform_indices = #map2}]} {
    %mul3A = arith.constant 2 : i32
    %mul3A_0 = arith.muli %arg1, %mul3A : i32
    %add3A = arith.addi %mul3A_0, %arg0 : i32
    %mul3A_1 = arith.constant 25600 : i32
    %mul3A_2 = arith.muli %add3A, %mul3A_1 : i32
    %mul3A_3 = arith.constant 128 : i32
    %mul3A_4 = arith.muli %add3A, %mul3A_3 : i32
    "tpu.region"() ({
      %run_scoped3A = tpu.sem_alloc : memref<!tpu.dma_semaphore, #tpu.memory_space<semaphore_mem>>
      %dma_start3A_52 = tpu.memref_slice %arg2[%mul3A_2] : memref<819200xi32, #tpu.memory_space<hbm>> -> memref<25600xi32, #tpu.memory_space<hbm>>
      %dma_start3A_53 = tpu.memref_slice %arg2[%mul3A_2] : memref<819200xi32, #tpu.memory_space<hbm>> -> memref<25600xi32, #tpu.memory_space<hbm>>
      tpu.enqueue_dma source(%dma_start3A_53 : memref<25600xi32, #tpu.memory_space<hbm>>) target(%arg7 : memref<25600xi32, #tpu.memory_space<vmem>>) target_semaphore(%run_scoped3A : memref<!tpu.dma_semaphore, #tpu.memory_space<semaphore_mem>>)
      %dma_wait3A_54 = tpu.memref_slice %arg2[%mul3A_2] : memref<819200xi32, #tpu.memory_space<hbm>> -> memref<25600xi32, #tpu.memory_space<hbm>>
      %dma_wait3A_55 = tpu.memref_slice %arg2[%mul3A_2] : memref<819200xi32, #tpu.memory_space<hbm>> -> memref<25600xi32, #tpu.memory_space<hbm>>
      tpu.wait_dma2 semaphore(%run_scoped3A : memref<!tpu.dma_semaphore, #tpu.memory_space<semaphore_mem>>) src(%dma_wait3A_55 : memref<25600xi32, #tpu.memory_space<hbm>>) dst(%arg7 : memref<25600xi32, #tpu.memory_space<vmem>>)
      tpu.yield
    }) : () -> ()
    "tpu.region"() ({
      %run_scoped3A = tpu.sem_alloc : memref<!tpu.dma_semaphore, #tpu.memory_space<semaphore_mem>>
      %dma_start3A_52 = tpu.memref_slice %arg3[%mul3A_2] : memref<819200xi32, #tpu.memory_space<hbm>> -> memref<25600xi32, #tpu.memory_space<hbm>>
      %dma_start3A_53 = tpu.memref_slice %arg3[%mul3A_2] : memref<819200xi32, #tpu.memory_space<hbm>> -> memref<25600xi32, #tpu.memory_space<hbm>>
      tpu.enqueue_dma source(%dma_start3A_53 : memref<25600xi32, #tpu.memory_space<hbm>>) target(%arg8 : memref<25600xi32, #tpu.memory_space<vmem>>) target_semaphore(%run_scoped3A : memref<!tpu.dma_semaphore, #tpu.memory_space<semaphore_mem>>)
      %dma_wait3A_54 = tpu.memref_slice %arg3[%mul3A_2] : memref<819200xi32, #tpu.memory_space<hbm>> -> memref<25600xi32, #tpu.memory_space<hbm>>
      %dma_wait3A_55 = tpu.memref_slice %arg3[%mul3A_2] : memref<819200xi32, #tpu.memory_space<hbm>> -> memref<25600xi32, #tpu.memory_space<hbm>>
      tpu.wait_dma2 semaphore(%run_scoped3A : memref<!tpu.dma_semaphore, #tpu.memory_space<semaphore_mem>>) src(%dma_wait3A_55 : memref<25600xi32, #tpu.memory_space<hbm>>) dst(%arg8 : memref<25600xi32, #tpu.memory_space<vmem>>)
      tpu.yield
    }) : () -> ()
    %dma_start3A = arith.constant 0 : i32
    %dma_start3A_5 = tpu.memref_slice %arg8[%dma_start3A] : memref<25600xi32, #tpu.memory_space<vmem>> -> memref<200xi32, #tpu.memory_space<vmem>>
    %dma_start3A_6 = arith.constant 0 : i32
    %dma_start3A_7 = arith.constant 0 : i32
    %dma_start3A_8 = tpu.memref_slice %arg5[%dma_start3A_6, %dma_start3A_7] : memref<256x32xf32, #tpu.memory_space<hbm>> -> memref<256x32xf32, #tpu.memory_space<hbm>>
    tpu.enqueue_indirect_dma source(%dma_start3A_8 : memref<256x32xf32, #tpu.memory_space<hbm>>) target(%arg9 : memref<200x32xf32, #tpu.memory_space<vmem>>) offsets(%dma_start3A_5 : memref<200xi32, #tpu.memory_space<vmem>>) semaphore(%arg13 : memref<!tpu.dma_semaphore, #tpu.memory_space<semaphore_mem>>)
    %dma_start3A_9 = arith.constant 200 : i32
    %dma_start3A_10 = tpu.memref_slice %arg8[%dma_start3A_9] : memref<25600xi32, #tpu.memory_space<vmem>> -> memref<200xi32, #tpu.memory_space<vmem>>
    %dma_start3A_11 = arith.constant 0 : i32
    %dma_start3A_12 = arith.constant 0 : i32
    %dma_start3A_13 = tpu.memref_slice %arg5[%dma_start3A_11, %dma_start3A_12] : memref<256x32xf32, #tpu.memory_space<hbm>> -> memref<256x32xf32, #tpu.memory_space<hbm>>
    tpu.enqueue_indirect_dma source(%dma_start3A_13 : memref<256x32xf32, #tpu.memory_space<hbm>>) target(%arg10 : memref<200x32xf32, #tpu.memory_space<vmem>>) offsets(%dma_start3A_10 : memref<200xi32, #tpu.memory_space<vmem>>) semaphore(%arg14 : memref<!tpu.dma_semaphore, #tpu.memory_space<semaphore_mem>>)
    %scan3A = arith.constant 0 : i32
    %scan3A_14 = arith.constant 32 : i32
    %scan3A_15 = arith.addi %scan3A, %scan3A_14 : i32
    %scan3A_16 = arith.constant 1 : i32
    scf.for %scan3A_52 = %scan3A to %scan3A_15 step %scan3A_16  : i32 {
      %mul3A_53 = arith.constant 4 : i32
      %mul3A_54 = arith.muli %scan3A_52, %mul3A_53 : i32
      %add3A_55 = arith.constant 0 : i32
      %add3A_56 = arith.addi %mul3A_54, %add3A_55 : i32
      %ge3A = arith.constant 2 : i32
      %ge3A_57 = arith.cmpi sge, %add3A_56, %ge3A : i32
      %convert_element_type3A = arith.extui %ge3A_57 : i1 to i32
      %cond3A = arith.constant 0 : i32
      %cond3A_58 = arith.cmpi ne, %convert_element_type3A, %cond3A : i32
      scf.if %cond3A_58 {
        %sub3A = arith.constant 2 : i32
        %sub3A_181 = arith.subi %add3A_56, %sub3A : i32
        %add3A_182 = arith.addi %mul3A_4, %sub3A_181 : i32
        %dma_wait3A_183 = arith.constant 0 : i32
        %dma_wait3A_184 = arith.constant 0 : i32
        %dma_wait3A_185 = tpu.memref_slice %arg6[%add3A_182, %dma_wait3A_183, %dma_wait3A_184] : memref<4096x200x128xf32, #tpu.memory_space<hbm>> -> memref<1x200x32xf32, #tpu.memory_space<hbm>>
        %dma_wait3A_186 = tpu.memref_squeeze %dma_wait3A_185 : memref<1x200x32xf32, #tpu.memory_space<hbm>> -> memref<200x32xf32, #tpu.memory_space<hbm>>
        %dma_wait3A_187 = arith.constant 0 : i32
        %dma_wait3A_188 = arith.constant 0 : i32
        %dma_wait3A_189 = tpu.memref_slice %arg6[%add3A_182, %dma_wait3A_187, %dma_wait3A_188] : memref<4096x200x128xf32, #tpu.memory_space<hbm>> -> memref<1x200x32xf32, #tpu.memory_space<hbm>>
        %dma_wait3A_190 = tpu.memref_squeeze %dma_wait3A_189 : memref<1x200x32xf32, #tpu.memory_space<hbm>> -> memref<200x32xf32, #tpu.memory_space<hbm>>
        tpu.wait_dma2 semaphore(%arg23 : memref<!tpu.dma_semaphore, #tpu.memory_space<semaphore_mem>>) src(%arg11 : memref<200x32xf32, #tpu.memory_space<vmem>>) dst(%dma_wait3A_190 : memref<200x32xf32, #tpu.memory_space<hbm>>)
      } else {
      }
      %add3A_59 = arith.constant 2 : i32
      %add3A_60 = arith.addi %add3A_56, %add3A_59 : i32
      %lt3A = arith.constant 128 : i32
      %lt3A_61 = arith.cmpi slt, %add3A_60, %lt3A : i32
      %convert_element_type3A_62 = arith.extui %lt3A_61 : i1 to i32
      %cond3A_63 = arith.constant 0 : i32
      %cond3A_64 = arith.cmpi ne, %convert_element_type3A_62, %cond3A_63 : i32
      scf.if %cond3A_64 {
        %add3A_181 = arith.constant 2 : i32
        %add3A_182 = arith.addi %add3A_56, %add3A_181 : i32
        %mul3A_183 = arith.constant 200 : i32
        %mul3A_184 = arith.muli %add3A_182, %mul3A_183 : i32
        %dma_start3A_185 = tpu.memref_slice %arg8[%mul3A_184] : memref<25600xi32, #tpu.memory_space<vmem>> -> memref<200xi32, #tpu.memory_space<vmem>>
        %dma_start3A_186 = arith.constant 0 : i32
        %dma_start3A_187 = arith.constant 0 : i32
        %dma_start3A_188 = tpu.memref_slice %arg5[%dma_start3A_186, %dma_start3A_187] : memref<256x32xf32, #tpu.memory_space<hbm>> -> memref<256x32xf32, #tpu.memory_space<hbm>>
        tpu.enqueue_indirect_dma source(%dma_start3A_188 : memref<256x32xf32, #tpu.memory_space<hbm>>) target(%arg11 : memref<200x32xf32, #tpu.memory_space<vmem>>) offsets(%dma_start3A_185 : memref<200xi32, #tpu.memory_space<vmem>>) semaphore(%arg15 : memref<!tpu.dma_semaphore, #tpu.memory_space<semaphore_mem>>)
      } else {
      }
      %mul3A_65 = arith.constant 200 : i32
      %mul3A_66 = arith.muli %add3A_56, %mul3A_65 : i32
      %dma_wait3A_67 = tpu.memref_slice %arg8[%mul3A_66] : memref<25600xi32, #tpu.memory_space<vmem>> -> memref<200xi32, #tpu.memory_space<vmem>>
      %dma_wait3A_68 = arith.constant 0 : i32
      %dma_wait3A_69 = arith.constant 0 : i32
      %dma_wait3A_70 = tpu.memref_slice %arg5[%dma_wait3A_68, %dma_wait3A_69] : memref<256x32xf32, #tpu.memory_space<hbm>> -> memref<256x32xf32, #tpu.memory_space<hbm>>
      tpu.wait_indirect_dma semaphore(%arg13 : memref<!tpu.dma_semaphore, #tpu.memory_space<semaphore_mem>>) src(%dma_wait3A_70 : memref<256x32xf32, #tpu.memory_space<hbm>>) dst(%arg9 : memref<200x32xf32, #tpu.memory_space<vmem>>)
      %mul3A_71 = arith.constant 200 : i32
      %mul3A_72 = arith.muli %add3A_56, %mul3A_71 : i32
      %dma_start3A_73 = tpu.memref_slice %arg7[%mul3A_72] : memref<25600xi32, #tpu.memory_space<vmem>> -> memref<200xi32, #tpu.memory_space<vmem>>
      %dma_start3A_74 = arith.constant 0 : i32
      %dma_start3A_75 = arith.constant 0 : i32
      %dma_start3A_76 = tpu.memref_slice %arg4[%dma_start3A_74, %dma_start3A_75] : memref<1000000x32xf32, #tpu.memory_space<hbm>> -> memref<1000000x32xf32, #tpu.memory_space<hbm>>
      tpu.enqueue_indirect_dma source(%dma_start3A_76 : memref<1000000x32xf32, #tpu.memory_space<hbm>>) target(%arg9 : memref<200x32xf32, #tpu.memory_space<vmem>>) offsets(%dma_start3A_73 : memref<200xi32, #tpu.memory_space<vmem>>) semaphore(%arg17 : memref<!tpu.dma_semaphore, #tpu.memory_space<semaphore_mem>>) {add = true}
      %ge3A_77 = arith.constant 1 : i32
      %ge3A_78 = arith.cmpi sge, %add3A_56, %ge3A_77 : i32
      %convert_element_type3A_79 = arith.extui %ge3A_78 : i1 to i32
      %cond3A_80 = arith.constant 0 : i32
      %cond3A_81 = arith.cmpi ne, %convert_element_type3A_79, %cond3A_80 : i32
      scf.if %cond3A_81 {
        %sub3A = arith.constant 1 : i32
        %sub3A_181 = arith.subi %add3A_56, %sub3A : i32
        %mul3A_182 = arith.constant 200 : i32
        %mul3A_183 = arith.muli %sub3A_181, %mul3A_182 : i32
        %dma_wait3A_184 = tpu.memref_slice %arg7[%mul3A_183] : memref<25600xi32, #tpu.memory_space<vmem>> -> memref<200xi32, #tpu.memory_space<vmem>>
        %dma_wait3A_185 = arith.constant 0 : i32
        %dma_wait3A_186 = arith.constant 0 : i32
        %dma_wait3A_187 = tpu.memref_slice %arg4[%dma_wait3A_185, %dma_wait3A_186] : memref<1000000x32xf32, #tpu.memory_space<hbm>> -> memref<1000000x32xf32, #tpu.memory_space<hbm>>
        tpu.wait_indirect_dma semaphore(%arg20 : memref<!tpu.dma_semaphore, #tpu.memory_space<semaphore_mem>>) src(%dma_wait3A_187 : memref<1000000x32xf32, #tpu.memory_space<hbm>>) dst(%arg12 : memref<200x32xf32, #tpu.memory_space<vmem>>)
        %sub3A_188 = arith.constant 1 : i32
        %sub3A_189 = arith.subi %add3A_56, %sub3A_188 : i32
        %add3A_190 = arith.addi %mul3A_4, %sub3A_189 : i32
        %dma_start3A_191 = arith.constant 0 : i32
        %dma_start3A_192 = arith.constant 0 : i32
        %dma_start3A_193 = tpu.memref_slice %arg6[%add3A_190, %dma_start3A_191, %dma_start3A_192] : memref<4096x200x128xf32, #tpu.memory_space<hbm>> -> memref<1x200x32xf32, #tpu.memory_space<hbm>>
        %dma_start3A_194 = tpu.memref_squeeze %dma_start3A_193 : memref<1x200x32xf32, #tpu.memory_space<hbm>> -> memref<200x32xf32, #tpu.memory_space<hbm>>
        %dma_start3A_195 = arith.constant 0 : i32
        %dma_start3A_196 = arith.constant 0 : i32
        %dma_start3A_197 = tpu.memref_slice %arg6[%add3A_190, %dma_start3A_195, %dma_start3A_196] : memref<4096x200x128xf32, #tpu.memory_space<hbm>> -> memref<1x200x32xf32, #tpu.memory_space<hbm>>
        %dma_start3A_198 = tpu.memref_squeeze %dma_start3A_197 : memref<1x200x32xf32, #tpu.memory_space<hbm>> -> memref<200x32xf32, #tpu.memory_space<hbm>>
        tpu.enqueue_dma source(%arg12 : memref<200x32xf32, #tpu.memory_space<vmem>>) target(%dma_start3A_198 : memref<200x32xf32, #tpu.memory_space<hbm>>) target_semaphore(%arg24 : memref<!tpu.dma_semaphore, #tpu.memory_space<semaphore_mem>>)
      } else {
      }
      %mul3A_82 = arith.constant 4 : i32
      %mul3A_83 = arith.muli %scan3A_52, %mul3A_82 : i32
      %add3A_84 = arith.constant 1 : i32
      %add3A_85 = arith.addi %mul3A_83, %add3A_84 : i32
      %ge3A_86 = arith.constant 2 : i32
      %ge3A_87 = arith.cmpi sge, %add3A_85, %ge3A_86 : i32
      %convert_element_type3A_88 = arith.extui %ge3A_87 : i1 to i32
      %cond3A_89 = arith.constant 0 : i32
      %cond3A_90 = arith.cmpi ne, %convert_element_type3A_88, %cond3A_89 : i32
      scf.if %cond3A_90 {
        %sub3A = arith.constant 2 : i32
        %sub3A_181 = arith.subi %add3A_85, %sub3A : i32
        %add3A_182 = arith.addi %mul3A_4, %sub3A_181 : i32
        %dma_wait3A_183 = arith.constant 0 : i32
        %dma_wait3A_184 = arith.constant 0 : i32
        %dma_wait3A_185 = tpu.memref_slice %arg6[%add3A_182, %dma_wait3A_183, %dma_wait3A_184] : memref<4096x200x128xf32, #tpu.memory_space<hbm>> -> memref<1x200x32xf32, #tpu.memory_space<hbm>>
        %dma_wait3A_186 = tpu.memref_squeeze %dma_wait3A_185 : memref<1x200x32xf32, #tpu.memory_space<hbm>> -> memref<200x32xf32, #tpu.memory_space<hbm>>
        %dma_wait3A_187 = arith.constant 0 : i32
        %dma_wait3A_188 = arith.constant 0 : i32
        %dma_wait3A_189 = tpu.memref_slice %arg6[%add3A_182, %dma_wait3A_187, %dma_wait3A_188] : memref<4096x200x128xf32, #tpu.memory_space<hbm>> -> memref<1x200x32xf32, #tpu.memory_space<hbm>>
        %dma_wait3A_190 = tpu.memref_squeeze %dma_wait3A_189 : memref<1x200x32xf32, #tpu.memory_space<hbm>> -> memref<200x32xf32, #tpu.memory_space<hbm>>
        tpu.wait_dma2 semaphore(%arg24 : memref<!tpu.dma_semaphore, #tpu.memory_space<semaphore_mem>>) src(%arg12 : memref<200x32xf32, #tpu.memory_space<vmem>>) dst(%dma_wait3A_190 : memref<200x32xf32, #tpu.memory_space<hbm>>)
      } else {
      }
      %add3A_91 = arith.constant 2 : i32
      %add3A_92 = arith.addi %add3A_85, %add3A_91 : i32
      %lt3A_93 = arith.constant 128 : i32
      %lt3A_94 = arith.cmpi slt, %add3A_92, %lt3A_93 : i32
      %convert_element_type3A_95 = arith.extui %lt3A_94 : i1 to i32
      %cond3A_96 = arith.constant 0 : i32
      %cond3A_97 = arith.cmpi ne, %convert_element_type3A_95, %cond3A_96 : i32
      scf.if %cond3A_97 {
        %add3A_181 = arith.constant 2 : i32
        %add3A_182 = arith.addi %add3A_85, %add3A_181 : i32
        %mul3A_183 = arith.constant 200 : i32
        %mul3A_184 = arith.muli %add3A_182, %mul3A_183 : i32
        %dma_start3A_185 = tpu.memref_slice %arg8[%mul3A_184] : memref<25600xi32, #tpu.memory_space<vmem>> -> memref<200xi32, #tpu.memory_space<vmem>>
        %dma_start3A_186 = arith.constant 0 : i32
        %dma_start3A_187 = arith.constant 0 : i32
        %dma_start3A_188 = tpu.memref_slice %arg5[%dma_start3A_186, %dma_start3A_187] : memref<256x32xf32, #tpu.memory_space<hbm>> -> memref<256x32xf32, #tpu.memory_space<hbm>>
        tpu.enqueue_indirect_dma source(%dma_start3A_188 : memref<256x32xf32, #tpu.memory_space<hbm>>) target(%arg12 : memref<200x32xf32, #tpu.memory_space<vmem>>) offsets(%dma_start3A_185 : memref<200xi32, #tpu.memory_space<vmem>>) semaphore(%arg16 : memref<!tpu.dma_semaphore, #tpu.memory_space<semaphore_mem>>)
      } else {
      }
      %mul3A_98 = arith.constant 200 : i32
      %mul3A_99 = arith.muli %add3A_85, %mul3A_98 : i32
      %dma_wait3A_100 = tpu.memref_slice %arg8[%mul3A_99] : memref<25600xi32, #tpu.memory_space<vmem>> -> memref<200xi32, #tpu.memory_space<vmem>>
      %dma_wait3A_101 = arith.constant 0 : i32
      %dma_wait3A_102 = arith.constant 0 : i32
      %dma_wait3A_103 = tpu.memref_slice %arg5[%dma_wait3A_101, %dma_wait3A_102] : memref<256x32xf32, #tpu.memory_space<hbm>> -> memref<256x32xf32, #tpu.memory_space<hbm>>
      tpu.wait_indirect_dma semaphore(%arg14 : memref<!tpu.dma_semaphore, #tpu.memory_space<semaphore_mem>>) src(%dma_wait3A_103 : memref<256x32xf32, #tpu.memory_space<hbm>>) dst(%arg10 : memref<200x32xf32, #tpu.memory_space<vmem>>)
      %mul3A_104 = arith.constant 200 : i32
      %mul3A_105 = arith.muli %add3A_85, %mul3A_104 : i32
      %dma_start3A_106 = tpu.memref_slice %arg7[%mul3A_105] : memref<25600xi32, #tpu.memory_space<vmem>> -> memref<200xi32, #tpu.memory_space<vmem>>
      %dma_start3A_107 = arith.constant 0 : i32
      %dma_start3A_108 = arith.constant 0 : i32
      %dma_start3A_109 = tpu.memref_slice %arg4[%dma_start3A_107, %dma_start3A_108] : memref<1000000x32xf32, #tpu.memory_space<hbm>> -> memref<1000000x32xf32, #tpu.memory_space<hbm>>
      tpu.enqueue_indirect_dma source(%dma_start3A_109 : memref<1000000x32xf32, #tpu.memory_space<hbm>>) target(%arg10 : memref<200x32xf32, #tpu.memory_space<vmem>>) offsets(%dma_start3A_106 : memref<200xi32, #tpu.memory_space<vmem>>) semaphore(%arg18 : memref<!tpu.dma_semaphore, #tpu.memory_space<semaphore_mem>>) {add = true}
      %ge3A_110 = arith.constant 1 : i32
      %ge3A_111 = arith.cmpi sge, %add3A_85, %ge3A_110 : i32
      %convert_element_type3A_112 = arith.extui %ge3A_111 : i1 to i32
      %cond3A_113 = arith.constant 0 : i32
      %cond3A_114 = arith.cmpi ne, %convert_element_type3A_112, %cond3A_113 : i32
      scf.if %cond3A_114 {
        %sub3A = arith.constant 1 : i32
        %sub3A_181 = arith.subi %add3A_85, %sub3A : i32
        %mul3A_182 = arith.constant 200 : i32
        %mul3A_183 = arith.muli %sub3A_181, %mul3A_182 : i32
        %dma_wait3A_184 = tpu.memref_slice %arg7[%mul3A_183] : memref<25600xi32, #tpu.memory_space<vmem>> -> memref<200xi32, #tpu.memory_space<vmem>>
        %dma_wait3A_185 = arith.constant 0 : i32
        %dma_wait3A_186 = arith.constant 0 : i32
        %dma_wait3A_187 = tpu.memref_slice %arg4[%dma_wait3A_185, %dma_wait3A_186] : memref<1000000x32xf32, #tpu.memory_space<hbm>> -> memref<1000000x32xf32, #tpu.memory_space<hbm>>
        tpu.wait_indirect_dma semaphore(%arg17 : memref<!tpu.dma_semaphore, #tpu.memory_space<semaphore_mem>>) src(%dma_wait3A_187 : memref<1000000x32xf32, #tpu.memory_space<hbm>>) dst(%arg9 : memref<200x32xf32, #tpu.memory_space<vmem>>)
        %sub3A_188 = arith.constant 1 : i32
        %sub3A_189 = arith.subi %add3A_85, %sub3A_188 : i32
        %add3A_190 = arith.addi %mul3A_4, %sub3A_189 : i32
        %dma_start3A_191 = arith.constant 0 : i32
        %dma_start3A_192 = arith.constant 0 : i32
        %dma_start3A_193 = tpu.memref_slice %arg6[%add3A_190, %dma_start3A_191, %dma_start3A_192] : memref<4096x200x128xf32, #tpu.memory_space<hbm>> -> memref<1x200x32xf32, #tpu.memory_space<hbm>>
        %dma_start3A_194 = tpu.memref_squeeze %dma_start3A_193 : memref<1x200x32xf32, #tpu.memory_space<hbm>> -> memref<200x32xf32, #tpu.memory_space<hbm>>
        %dma_start3A_195 = arith.constant 0 : i32
        %dma_start3A_196 = arith.constant 0 : i32
        %dma_start3A_197 = tpu.memref_slice %arg6[%add3A_190, %dma_start3A_195, %dma_start3A_196] : memref<4096x200x128xf32, #tpu.memory_space<hbm>> -> memref<1x200x32xf32, #tpu.memory_space<hbm>>
        %dma_start3A_198 = tpu.memref_squeeze %dma_start3A_197 : memref<1x200x32xf32, #tpu.memory_space<hbm>> -> memref<200x32xf32, #tpu.memory_space<hbm>>
        tpu.enqueue_dma source(%arg9 : memref<200x32xf32, #tpu.memory_space<vmem>>) target(%dma_start3A_198 : memref<200x32xf32, #tpu.memory_space<hbm>>) target_semaphore(%arg21 : memref<!tpu.dma_semaphore, #tpu.memory_space<semaphore_mem>>)
      } else {
      }
      %mul3A_115 = arith.constant 4 : i32
      %mul3A_116 = arith.muli %scan3A_52, %mul3A_115 : i32
      %add3A_117 = arith.constant 2 : i32
      %add3A_118 = arith.addi %mul3A_116, %add3A_117 : i32
      %ge3A_119 = arith.constant 2 : i32
      %ge3A_120 = arith.cmpi sge, %add3A_118, %ge3A_119 : i32
      %convert_element_type3A_121 = arith.extui %ge3A_120 : i1 to i32
      %cond3A_122 = arith.constant 0 : i32
      %cond3A_123 = arith.cmpi ne, %convert_element_type3A_121, %cond3A_122 : i32
      scf.if %cond3A_123 {
        %sub3A = arith.constant 2 : i32
        %sub3A_181 = arith.subi %add3A_118, %sub3A : i32
        %add3A_182 = arith.addi %mul3A_4, %sub3A_181 : i32
        %dma_wait3A_183 = arith.constant 0 : i32
        %dma_wait3A_184 = arith.constant 0 : i32
        %dma_wait3A_185 = tpu.memref_slice %arg6[%add3A_182, %dma_wait3A_183, %dma_wait3A_184] : memref<4096x200x128xf32, #tpu.memory_space<hbm>> -> memref<1x200x32xf32, #tpu.memory_space<hbm>>
        %dma_wait3A_186 = tpu.memref_squeeze %dma_wait3A_185 : memref<1x200x32xf32, #tpu.memory_space<hbm>> -> memref<200x32xf32, #tpu.memory_space<hbm>>
        %dma_wait3A_187 = arith.constant 0 : i32
        %dma_wait3A_188 = arith.constant 0 : i32
        %dma_wait3A_189 = tpu.memref_slice %arg6[%add3A_182, %dma_wait3A_187, %dma_wait3A_188] : memref<4096x200x128xf32, #tpu.memory_space<hbm>> -> memref<1x200x32xf32, #tpu.memory_space<hbm>>
        %dma_wait3A_190 = tpu.memref_squeeze %dma_wait3A_189 : memref<1x200x32xf32, #tpu.memory_space<hbm>> -> memref<200x32xf32, #tpu.memory_space<hbm>>
        tpu.wait_dma2 semaphore(%arg21 : memref<!tpu.dma_semaphore, #tpu.memory_space<semaphore_mem>>) src(%arg9 : memref<200x32xf32, #tpu.memory_space<vmem>>) dst(%dma_wait3A_190 : memref<200x32xf32, #tpu.memory_space<hbm>>)
      } else {
      }
      %add3A_124 = arith.constant 2 : i32
      %add3A_125 = arith.addi %add3A_118, %add3A_124 : i32
      %lt3A_126 = arith.constant 128 : i32
      %lt3A_127 = arith.cmpi slt, %add3A_125, %lt3A_126 : i32
      %convert_element_type3A_128 = arith.extui %lt3A_127 : i1 to i32
      %cond3A_129 = arith.constant 0 : i32
      %cond3A_130 = arith.cmpi ne, %convert_element_type3A_128, %cond3A_129 : i32
      scf.if %cond3A_130 {
        %add3A_181 = arith.constant 2 : i32
        %add3A_182 = arith.addi %add3A_118, %add3A_181 : i32
        %mul3A_183 = arith.constant 200 : i32
        %mul3A_184 = arith.muli %add3A_182, %mul3A_183 : i32
        %dma_start3A_185 = tpu.memref_slice %arg8[%mul3A_184] : memref<25600xi32, #tpu.memory_space<vmem>> -> memref<200xi32, #tpu.memory_space<vmem>>
        %dma_start3A_186 = arith.constant 0 : i32
        %dma_start3A_187 = arith.constant 0 : i32
        %dma_start3A_188 = tpu.memref_slice %arg5[%dma_start3A_186, %dma_start3A_187] : memref<256x32xf32, #tpu.memory_space<hbm>> -> memref<256x32xf32, #tpu.memory_space<hbm>>
        tpu.enqueue_indirect_dma source(%dma_start3A_188 : memref<256x32xf32, #tpu.memory_space<hbm>>) target(%arg9 : memref<200x32xf32, #tpu.memory_space<vmem>>) offsets(%dma_start3A_185 : memref<200xi32, #tpu.memory_space<vmem>>) semaphore(%arg13 : memref<!tpu.dma_semaphore, #tpu.memory_space<semaphore_mem>>)
      } else {
      }
      %mul3A_131 = arith.constant 200 : i32
      %mul3A_132 = arith.muli %add3A_118, %mul3A_131 : i32
      %dma_wait3A_133 = tpu.memref_slice %arg8[%mul3A_132] : memref<25600xi32, #tpu.memory_space<vmem>> -> memref<200xi32, #tpu.memory_space<vmem>>
      %dma_wait3A_134 = arith.constant 0 : i32
      %dma_wait3A_135 = arith.constant 0 : i32
      %dma_wait3A_136 = tpu.memref_slice %arg5[%dma_wait3A_134, %dma_wait3A_135] : memref<256x32xf32, #tpu.memory_space<hbm>> -> memref<256x32xf32, #tpu.memory_space<hbm>>
      tpu.wait_indirect_dma semaphore(%arg15 : memref<!tpu.dma_semaphore, #tpu.memory_space<semaphore_mem>>) src(%dma_wait3A_136 : memref<256x32xf32, #tpu.memory_space<hbm>>) dst(%arg11 : memref<200x32xf32, #tpu.memory_space<vmem>>)
      %mul3A_137 = arith.constant 200 : i32
      %mul3A_138 = arith.muli %add3A_118, %mul3A_137 : i32
      %dma_start3A_139 = tpu.memref_slice %arg7[%mul3A_138] : memref<25600xi32, #tpu.memory_space<vmem>> -> memref<200xi32, #tpu.memory_space<vmem>>
      %dma_start3A_140 = arith.constant 0 : i32
      %dma_start3A_141 = arith.constant 0 : i32
      %dma_start3A_142 = tpu.memref_slice %arg4[%dma_start3A_140, %dma_start3A_141] : memref<1000000x32xf32, #tpu.memory_space<hbm>> -> memref<1000000x32xf32, #tpu.memory_space<hbm>>
      tpu.enqueue_indirect_dma source(%dma_start3A_142 : memref<1000000x32xf32, #tpu.memory_space<hbm>>) target(%arg11 : memref<200x32xf32, #tpu.memory_space<vmem>>) offsets(%dma_start3A_139 : memref<200xi32, #tpu.memory_space<vmem>>) semaphore(%arg19 : memref<!tpu.dma_semaphore, #tpu.memory_space<semaphore_mem>>) {add = true}
      %ge3A_143 = arith.constant 1 : i32
      %ge3A_144 = arith.cmpi sge, %add3A_118, %ge3A_143 : i32
      %convert_element_type3A_145 = arith.extui %ge3A_144 : i1 to i32
      %cond3A_146 = arith.constant 0 : i32
      %cond3A_147 = arith.cmpi ne, %convert_element_type3A_145, %cond3A_146 : i32
      scf.if %cond3A_147 {
        %sub3A = arith.constant 1 : i32
        %sub3A_181 = arith.subi %add3A_118, %sub3A : i32
        %mul3A_182 = arith.constant 200 : i32
        %mul3A_183 = arith.muli %sub3A_181, %mul3A_182 : i32
        %dma_wait3A_184 = tpu.memref_slice %arg7[%mul3A_183] : memref<25600xi32, #tpu.memory_space<vmem>> -> memref<200xi32, #tpu.memory_space<vmem>>
        %dma_wait3A_185 = arith.constant 0 : i32
        %dma_wait3A_186 = arith.constant 0 : i32
        %dma_wait3A_187 = tpu.memref_slice %arg4[%dma_wait3A_185, %dma_wait3A_186] : memref<1000000x32xf32, #tpu.memory_space<hbm>> -> memref<1000000x32xf32, #tpu.memory_space<hbm>>
        tpu.wait_indirect_dma semaphore(%arg18 : memref<!tpu.dma_semaphore, #tpu.memory_space<semaphore_mem>>) src(%dma_wait3A_187 : memref<1000000x32xf32, #tpu.memory_space<hbm>>) dst(%arg10 : memref<200x32xf32, #tpu.memory_space<vmem>>)
        %sub3A_188 = arith.constant 1 : i32
        %sub3A_189 = arith.subi %add3A_118, %sub3A_188 : i32
        %add3A_190 = arith.addi %mul3A_4, %sub3A_189 : i32
        %dma_start3A_191 = arith.constant 0 : i32
        %dma_start3A_192 = arith.constant 0 : i32
        %dma_start3A_193 = tpu.memref_slice %arg6[%add3A_190, %dma_start3A_191, %dma_start3A_192] : memref<4096x200x128xf32, #tpu.memory_space<hbm>> -> memref<1x200x32xf32, #tpu.memory_space<hbm>>
        %dma_start3A_194 = tpu.memref_squeeze %dma_start3A_193 : memref<1x200x32xf32, #tpu.memory_space<hbm>> -> memref<200x32xf32, #tpu.memory_space<hbm>>
        %dma_start3A_195 = arith.constant 0 : i32
        %dma_start3A_196 = arith.constant 0 : i32
        %dma_start3A_197 = tpu.memref_slice %arg6[%add3A_190, %dma_start3A_195, %dma_start3A_196] : memref<4096x200x128xf32, #tpu.memory_space<hbm>> -> memref<1x200x32xf32, #tpu.memory_space<hbm>>
        %dma_start3A_198 = tpu.memref_squeeze %dma_start3A_197 : memref<1x200x32xf32, #tpu.memory_space<hbm>> -> memref<200x32xf32, #tpu.memory_space<hbm>>
        tpu.enqueue_dma source(%arg10 : memref<200x32xf32, #tpu.memory_space<vmem>>) target(%dma_start3A_198 : memref<200x32xf32, #tpu.memory_space<hbm>>) target_semaphore(%arg22 : memref<!tpu.dma_semaphore, #tpu.memory_space<semaphore_mem>>)
      } else {
      }
      %mul3A_148 = arith.constant 4 : i32
      %mul3A_149 = arith.muli %scan3A_52, %mul3A_148 : i32
      %add3A_150 = arith.constant 3 : i32
      %add3A_151 = arith.addi %mul3A_149, %add3A_150 : i32
      %ge3A_152 = arith.constant 2 : i32
      %ge3A_153 = arith.cmpi sge, %add3A_151, %ge3A_152 : i32
      %convert_element_type3A_154 = arith.extui %ge3A_153 : i1 to i32
      %cond3A_155 = arith.constant 0 : i32
      %cond3A_156 = arith.cmpi ne, %convert_element_type3A_154, %cond3A_155 : i32
      scf.if %cond3A_156 {
        %sub3A = arith.constant 2 : i32
        %sub3A_181 = arith.subi %add3A_151, %sub3A : i32
        %add3A_182 = arith.addi %mul3A_4, %sub3A_181 : i32
        %dma_wait3A_183 = arith.constant 0 : i32
        %dma_wait3A_184 = arith.constant 0 : i32
        %dma_wait3A_185 = tpu.memref_slice %arg6[%add3A_182, %dma_wait3A_183, %dma_wait3A_184] : memref<4096x200x128xf32, #tpu.memory_space<hbm>> -> memref<1x200x32xf32, #tpu.memory_space<hbm>>
        %dma_wait3A_186 = tpu.memref_squeeze %dma_wait3A_185 : memref<1x200x32xf32, #tpu.memory_space<hbm>> -> memref<200x32xf32, #tpu.memory_space<hbm>>
        %dma_wait3A_187 = arith.constant 0 : i32
        %dma_wait3A_188 = arith.constant 0 : i32
        %dma_wait3A_189 = tpu.memref_slice %arg6[%add3A_182, %dma_wait3A_187, %dma_wait3A_188] : memref<4096x200x128xf32, #tpu.memory_space<hbm>> -> memref<1x200x32xf32, #tpu.memory_space<hbm>>
        %dma_wait3A_190 = tpu.memref_squeeze %dma_wait3A_189 : memref<1x200x32xf32, #tpu.memory_space<hbm>> -> memref<200x32xf32, #tpu.memory_space<hbm>>
        tpu.wait_dma2 semaphore(%arg22 : memref<!tpu.dma_semaphore, #tpu.memory_space<semaphore_mem>>) src(%arg10 : memref<200x32xf32, #tpu.memory_space<vmem>>) dst(%dma_wait3A_190 : memref<200x32xf32, #tpu.memory_space<hbm>>)
      } else {
      }
      %add3A_157 = arith.constant 2 : i32
      %add3A_158 = arith.addi %add3A_151, %add3A_157 : i32
      %lt3A_159 = arith.constant 128 : i32
      %lt3A_160 = arith.cmpi slt, %add3A_158, %lt3A_159 : i32
      %convert_element_type3A_161 = arith.extui %lt3A_160 : i1 to i32
      %cond3A_162 = arith.constant 0 : i32
      %cond3A_163 = arith.cmpi ne, %convert_element_type3A_161, %cond3A_162 : i32
      scf.if %cond3A_163 {
        %add3A_181 = arith.constant 2 : i32
        %add3A_182 = arith.addi %add3A_151, %add3A_181 : i32
        %mul3A_183 = arith.constant 200 : i32
        %mul3A_184 = arith.muli %add3A_182, %mul3A_183 : i32
        %dma_start3A_185 = tpu.memref_slice %arg8[%mul3A_184] : memref<25600xi32, #tpu.memory_space<vmem>> -> memref<200xi32, #tpu.memory_space<vmem>>
        %dma_start3A_186 = arith.constant 0 : i32
        %dma_start3A_187 = arith.constant 0 : i32
        %dma_start3A_188 = tpu.memref_slice %arg5[%dma_start3A_186, %dma_start3A_187] : memref<256x32xf32, #tpu.memory_space<hbm>> -> memref<256x32xf32, #tpu.memory_space<hbm>>
        tpu.enqueue_indirect_dma source(%dma_start3A_188 : memref<256x32xf32, #tpu.memory_space<hbm>>) target(%arg10 : memref<200x32xf32, #tpu.memory_space<vmem>>) offsets(%dma_start3A_185 : memref<200xi32, #tpu.memory_space<vmem>>) semaphore(%arg14 : memref<!tpu.dma_semaphore, #tpu.memory_space<semaphore_mem>>)
      } else {
      }
      %mul3A_164 = arith.constant 200 : i32
      %mul3A_165 = arith.muli %add3A_151, %mul3A_164 : i32
      %dma_wait3A_166 = tpu.memref_slice %arg8[%mul3A_165] : memref<25600xi32, #tpu.memory_space<vmem>> -> memref<200xi32, #tpu.memory_space<vmem>>
      %dma_wait3A_167 = arith.constant 0 : i32
      %dma_wait3A_168 = arith.constant 0 : i32
      %dma_wait3A_169 = tpu.memref_slice %arg5[%dma_wait3A_167, %dma_wait3A_168] : memref<256x32xf32, #tpu.memory_space<hbm>> -> memref<256x32xf32, #tpu.memory_space<hbm>>
      tpu.wait_indirect_dma semaphore(%arg16 : memref<!tpu.dma_semaphore, #tpu.memory_space<semaphore_mem>>) src(%dma_wait3A_169 : memref<256x32xf32, #tpu.memory_space<hbm>>) dst(%arg12 : memref<200x32xf32, #tpu.memory_space<vmem>>)
      %mul3A_170 = arith.constant 200 : i32
      %mul3A_171 = arith.muli %add3A_151, %mul3A_170 : i32
      %dma_start3A_172 = tpu.memref_slice %arg7[%mul3A_171] : memref<25600xi32, #tpu.memory_space<vmem>> -> memref<200xi32, #tpu.memory_space<vmem>>
      %dma_start3A_173 = arith.constant 0 : i32
      %dma_start3A_174 = arith.constant 0 : i32
      %dma_start3A_175 = tpu.memref_slice %arg4[%dma_start3A_173, %dma_start3A_174] : memref<1000000x32xf32, #tpu.memory_space<hbm>> -> memref<1000000x32xf32, #tpu.memory_space<hbm>>
      tpu.enqueue_indirect_dma source(%dma_start3A_175 : memref<1000000x32xf32, #tpu.memory_space<hbm>>) target(%arg12 : memref<200x32xf32, #tpu.memory_space<vmem>>) offsets(%dma_start3A_172 : memref<200xi32, #tpu.memory_space<vmem>>) semaphore(%arg20 : memref<!tpu.dma_semaphore, #tpu.memory_space<semaphore_mem>>) {add = true}
      %ge3A_176 = arith.constant 1 : i32
      %ge3A_177 = arith.cmpi sge, %add3A_151, %ge3A_176 : i32
      %convert_element_type3A_178 = arith.extui %ge3A_177 : i1 to i32
      %cond3A_179 = arith.constant 0 : i32
      %cond3A_180 = arith.cmpi ne, %convert_element_type3A_178, %cond3A_179 : i32
      scf.if %cond3A_180 {
        %sub3A = arith.constant 1 : i32
        %sub3A_181 = arith.subi %add3A_151, %sub3A : i32
        %mul3A_182 = arith.constant 200 : i32
        %mul3A_183 = arith.muli %sub3A_181, %mul3A_182 : i32
        %dma_wait3A_184 = tpu.memref_slice %arg7[%mul3A_183] : memref<25600xi32, #tpu.memory_space<vmem>> -> memref<200xi32, #tpu.memory_space<vmem>>
        %dma_wait3A_185 = arith.constant 0 : i32
        %dma_wait3A_186 = arith.constant 0 : i32
        %dma_wait3A_187 = tpu.memref_slice %arg4[%dma_wait3A_185, %dma_wait3A_186] : memref<1000000x32xf32, #tpu.memory_space<hbm>> -> memref<1000000x32xf32, #tpu.memory_space<hbm>>
        tpu.wait_indirect_dma semaphore(%arg19 : memref<!tpu.dma_semaphore, #tpu.memory_space<semaphore_mem>>) src(%dma_wait3A_187 : memref<1000000x32xf32, #tpu.memory_space<hbm>>) dst(%arg11 : memref<200x32xf32, #tpu.memory_space<vmem>>)
        %sub3A_188 = arith.constant 1 : i32
        %sub3A_189 = arith.subi %add3A_151, %sub3A_188 : i32
        %add3A_190 = arith.addi %mul3A_4, %sub3A_189 : i32
        %dma_start3A_191 = arith.constant 0 : i32
        %dma_start3A_192 = arith.constant 0 : i32
        %dma_start3A_193 = tpu.memref_slice %arg6[%add3A_190, %dma_start3A_191, %dma_start3A_192] : memref<4096x200x128xf32, #tpu.memory_space<hbm>> -> memref<1x200x32xf32, #tpu.memory_space<hbm>>
        %dma_start3A_194 = tpu.memref_squeeze %dma_start3A_193 : memref<1x200x32xf32, #tpu.memory_space<hbm>> -> memref<200x32xf32, #tpu.memory_space<hbm>>
        %dma_start3A_195 = arith.constant 0 : i32
        %dma_start3A_196 = arith.constant 0 : i32
        %dma_start3A_197 = tpu.memref_slice %arg6[%add3A_190, %dma_start3A_195, %dma_start3A_196] : memref<4096x200x128xf32, #tpu.memory_space<hbm>> -> memref<1x200x32xf32, #tpu.memory_space<hbm>>
        %dma_start3A_198 = tpu.memref_squeeze %dma_start3A_197 : memref<1x200x32xf32, #tpu.memory_space<hbm>> -> memref<200x32xf32, #tpu.memory_space<hbm>>
        tpu.enqueue_dma source(%arg11 : memref<200x32xf32, #tpu.memory_space<vmem>>) target(%dma_start3A_198 : memref<200x32xf32, #tpu.memory_space<hbm>>) target_semaphore(%arg23 : memref<!tpu.dma_semaphore, #tpu.memory_space<semaphore_mem>>)
      } else {
      }
    }
    %scan3A_17 = arith.constant 32 : i32
    %dma_wait3A = arith.constant 25400 : i32
    %dma_wait3A_18 = tpu.memref_slice %arg7[%dma_wait3A] : memref<25600xi32, #tpu.memory_space<vmem>> -> memref<200xi32, #tpu.memory_space<vmem>>
    %dma_wait3A_19 = arith.constant 0 : i32
    %dma_wait3A_20 = arith.constant 0 : i32
    %dma_wait3A_21 = tpu.memref_slice %arg4[%dma_wait3A_19, %dma_wait3A_20] : memref<1000000x32xf32, #tpu.memory_space<hbm>> -> memref<1000000x32xf32, #tpu.memory_space<hbm>>
    tpu.wait_indirect_dma semaphore(%arg20 : memref<!tpu.dma_semaphore, #tpu.memory_space<semaphore_mem>>) src(%dma_wait3A_21 : memref<1000000x32xf32, #tpu.memory_space<hbm>>) dst(%arg12 : memref<200x32xf32, #tpu.memory_space<vmem>>)
    %add3A_22 = arith.constant 127 : i32
    %add3A_23 = arith.addi %mul3A_4, %add3A_22 : i32
    %dma_start3A_24 = arith.constant 0 : i32
    %dma_start3A_25 = arith.constant 0 : i32
    %dma_start3A_26 = tpu.memref_slice %arg6[%add3A_23, %dma_start3A_24, %dma_start3A_25] : memref<4096x200x128xf32, #tpu.memory_space<hbm>> -> memref<1x200x32xf32, #tpu.memory_space<hbm>>
    %dma_start3A_27 = tpu.memref_squeeze %dma_start3A_26 : memref<1x200x32xf32, #tpu.memory_space<hbm>> -> memref<200x32xf32, #tpu.memory_space<hbm>>
    %dma_start3A_28 = arith.constant 0 : i32
    %dma_start3A_29 = arith.constant 0 : i32
    %dma_start3A_30 = tpu.memref_slice %arg6[%add3A_23, %dma_start3A_28, %dma_start3A_29] : memref<4096x200x128xf32, #tpu.memory_space<hbm>> -> memref<1x200x32xf32, #tpu.memory_space<hbm>>
    %dma_start3A_31 = tpu.memref_squeeze %dma_start3A_30 : memref<1x200x32xf32, #tpu.memory_space<hbm>> -> memref<200x32xf32, #tpu.memory_space<hbm>>
    tpu.enqueue_dma source(%arg12 : memref<200x32xf32, #tpu.memory_space<vmem>>) target(%dma_start3A_31 : memref<200x32xf32, #tpu.memory_space<hbm>>) target_semaphore(%arg24 : memref<!tpu.dma_semaphore, #tpu.memory_space<semaphore_mem>>)
    %add3A_32 = arith.constant 126 : i32
    %add3A_33 = arith.addi %mul3A_4, %add3A_32 : i32
    %dma_wait3A_34 = arith.constant 0 : i32
    %dma_wait3A_35 = arith.constant 0 : i32
    %dma_wait3A_36 = tpu.memref_slice %arg6[%add3A_33, %dma_wait3A_34, %dma_wait3A_35] : memref<4096x200x128xf32, #tpu.memory_space<hbm>> -> memref<1x200x32xf32, #tpu.memory_space<hbm>>
    %dma_wait3A_37 = tpu.memref_squeeze %dma_wait3A_36 : memref<1x200x32xf32, #tpu.memory_space<hbm>> -> memref<200x32xf32, #tpu.memory_space<hbm>>
    %dma_wait3A_38 = arith.constant 0 : i32
    %dma_wait3A_39 = arith.constant 0 : i32
    %dma_wait3A_40 = tpu.memref_slice %arg6[%add3A_33, %dma_wait3A_38, %dma_wait3A_39] : memref<4096x200x128xf32, #tpu.memory_space<hbm>> -> memref<1x200x32xf32, #tpu.memory_space<hbm>>
    %dma_wait3A_41 = tpu.memref_squeeze %dma_wait3A_40 : memref<1x200x32xf32, #tpu.memory_space<hbm>> -> memref<200x32xf32, #tpu.memory_space<hbm>>
    tpu.wait_dma2 semaphore(%arg23 : memref<!tpu.dma_semaphore, #tpu.memory_space<semaphore_mem>>) src(%arg11 : memref<200x32xf32, #tpu.memory_space<vmem>>) dst(%dma_wait3A_41 : memref<200x32xf32, #tpu.memory_space<hbm>>)
    %add3A_42 = arith.constant 127 : i32
    %add3A_43 = arith.addi %mul3A_4, %add3A_42 : i32
    %dma_wait3A_44 = arith.constant 0 : i32
    %dma_wait3A_45 = arith.constant 0 : i32
    %dma_wait3A_46 = tpu.memref_slice %arg6[%add3A_43, %dma_wait3A_44, %dma_wait3A_45] : memref<4096x200x128xf32, #tpu.memory_space<hbm>> -> memref<1x200x32xf32, #tpu.memory_space<hbm>>
    %dma_wait3A_47 = tpu.memref_squeeze %dma_wait3A_46 : memref<1x200x32xf32, #tpu.memory_space<hbm>> -> memref<200x32xf32, #tpu.memory_space<hbm>>
    %dma_wait3A_48 = arith.constant 0 : i32
    %dma_wait3A_49 = arith.constant 0 : i32
    %dma_wait3A_50 = tpu.memref_slice %arg6[%add3A_43, %dma_wait3A_48, %dma_wait3A_49] : memref<4096x200x128xf32, #tpu.memory_space<hbm>> -> memref<1x200x32xf32, #tpu.memory_space<hbm>>
    %dma_wait3A_51 = tpu.memref_squeeze %dma_wait3A_50 : memref<1x200x32xf32, #tpu.memory_space<hbm>> -> memref<200x32xf32, #tpu.memory_space<hbm>>
    tpu.wait_dma2 semaphore(%arg24 : memref<!tpu.dma_semaphore, #tpu.memory_space<semaphore_mem>>) src(%arg12 : memref<200x32xf32, #tpu.memory_space<vmem>>) dst(%dma_wait3A_51 : memref<200x32xf32, #tpu.memory_space<hbm>>)
    return
  }
}

</mosaic_0001>

<sc_bundles>
// kernel: kernel.3.cloned.1.call-start
scs
__scs_entry_jumppad:
0x0: {  	(pc) =	sbr.rel $0x88, $3  }
0x1: {  	(tag) =	ssettag $0x0;
	lr =	simm.s32 $0x1  }
0x2: {  	[smem:$0x3F9D] =	sst lr;
	_ =	strace $0xD0000000  }
0x3: {  	_ = 	snop  }
0x4: {  	_ = 	snop  }
0x5: {  	_ = 	snop  }
0x6: {  	_ = 	snop  }
0x7: {  	_ = 	snop  }
__scs_overlays_trampoline_lowered:
0x8: {  	[smem:$0x3FAC] =	sst s0  }
0x9: {  	[smem:$0x3FAD] =	sst s1  }
0xa: {  	[smem:$0x3FAE] =	sst s2  }
0xb: {  	[smem:$0x3FAF] =	sst s3  }
0xc: {  	[smem:$0x3FB0] =	sst s4  }
0xd: {  	[smem:$0x3FB1] =	sst s5  }
0xe: {  	[smem:$0x3FB2] =	sst s6  }
0xf: {  	[smem:$0x3FB3] =	sst s7  }
0x10: {  	[smem:$0x3FB4] =	sst s8  }
0x11: {  	[smem:$0x3FB5] =	sst s9;
	s0 =	simm.s32 @!p0 $0x0  }
0x12: {  	s1 =	sld [smem:$0x3F9B];
	s0 =	simm.s32 @p0 $0x1  }
0x13: {  	[smem:$0x3FB6] =	sst s0;
	s0 =	simm.s32 @!p1 $0x0  }
0x14: {  	s2 =	sld [smem:$0x3F9A];
	s0 =	simm.s32 @p1 $0x1  }
0x15: {  	[smem:$0x3FB7] =	sst s0;
	s0 =	simm.s32 @!p2 $0x0  }
0x16: {  	s3 =	sld [smem:$0x3FDB];
	s0 =	simm.s32 @p2 $0x1  }
0x17: {  	s4 =	simm.s32 $0x1BF5;
	[smem:$0x3FB9] =	sst s0  }
0x18: {  	s0 =	sld [smem:$0x3F9C];
	_ =	swait.ge [sflag:s4], $0x0  }
0x19: {  	s7 =	sld [smem:$0x3F9D]  }
0x1a: {  	s8 =	sadd.s32 $0xFFFFE003, lr  }
0x1b: {  	s9 =	sadd.s32 $0xFFFFFEF7, lr;
	s5 =	simm.s32 $0xFFFFFFFF;
	p2 =	slt.u32 s8, $0xFFFFF086  }
0x1c: {  	p1 =	slt.u32 s9, $0xF7A;
	s5 =	simm.s32 @!p2 $0x0  }
0x1d: {  	s5 =	simm.s32 @p1 $0x1;
	p0 =	seq.s32 s7, s2  }
0x1e: {  	s7 =	smul.u32 @!p0 $0xF7A, s2;
	p2 =	seq.s32 @!p0 s5, $0x0  }
0x1f: {  	s9 =	smul.u32 $0xF7A, s1;
	s8 =	simm.s32 @!p0 $0x1BF5;
	p2 =	por !p2, p0  }
0x20: {  	[sflag:s8] =	ssyncset.s32 @!p0 $0xFFFFF086;
	s6 =	sadd.s32 @!p0 s3, s7;
	s7 =	simm.s32 @!p0 $0x108  }
0x21: {  	s3 =	sadd.s32 s3, s9;
	s6 =	sadd.s32 @!p0 $0x88, s6;
	s7 =	simm.s32 @p2 $0x1082  }
0x22: {  	[simem:s7], [sflag:s8] =	dma.local @!p0 [hbm:s6], $0xF7A  }
0x23: {  	s9 =	sor.u32 $0xD0000000, s2;
	s6 =	simm.s32 $0x108;
	_ =	swait.ge @!p0 [sflag:s8], $0x0  }
0x24: {  	s3 =	sadd.s32 $0x88, s3;
	s6 =	simm.s32 @!p1 $0x1082;
	[sflag:s4] =	ssyncset.s32 $0xFFFFF086  }
0x25: {  	[simem:s6], [sflag:s4] =	dma.local [hbm:s3], $0xF7A  }
0x26: {  	[smem:$0x3F9D] =	sst s1;
	(tag) =	ssettag s2;
	_ =	strace s9  }
0x27: {  	s1 =	sld [smem:$0x3FAD]  }
0x28: {  	s2 =	sld [smem:$0x3FAE]  }
0x29: {  	s4 =	sld [smem:$0x3FB0]  }
0x2a: {  	p0 =	seq.s32 s5, $0x0;
	s5 =	sld [smem:$0x3FB1]  }
0x2b: {  	s6 =	sld [smem:$0x3FB2]  }
0x2c: {  	s7 =	sld [smem:$0x3FB3]  }
0x2d: {  	s3 =	simm.s32 $0x108;
	s8 =	sld [smem:$0x3FB4]  }
0x2e: {  	s3 =	simm.s32 @!p0 $0x1082;
	s9 =	sld [smem:$0x3FB5]  }
0x2f: {  	lr =	sadd.s32 s0, s3;
	s0 =	sld [smem:$0x3FAC]  }
0x30: {  	s3 =	sld [smem:$0x3FAF]  }
0x31: {  	[smem:$0x3FB8] =	sst s10  }
0x32: {  	s10 =	sld [smem:$0x3FB6];
	_ =	sdelay $0x3  }
0x33: {  	p0 =	seq.s32 s10, $0x1;
	s10 =	sld [smem:$0x3FB8];
	_ =	sdelay $0x3  }
0x34: {  	[smem:$0x3FB8] =	sst s10  }
0x35: {  	s10 =	sld [smem:$0x3FB7];
	_ =	sdelay $0x3  }
0x36: {  	p1 =	seq.s32 s10, $0x1;
	s10 =	sld [smem:$0x3FB8];
	_ =	sdelay $0x3  }
0x37: {  	[smem:$0x3FB8] =	sst s10  }
0x38: {  	s10 =	sld [smem:$0x3FB9]  }
0x39: {  	_ = 	snop;
	(pc) =	sbr.ind lr, $3  }
0x3a: {  	_ = 	snop  }
0x3b: {  	_ = 	snop  }
0x3c: {  	p2 =	seq.s32 s10, $0x1;
	s10 =	sld [smem:$0x3FB8]  }
0x3d: {  	_ =	shalt  }
0x3e: {  	_ =	shalt  }
0x3f: {  	_ =	shalt  }
0x40: {  	_ =	shalt  }
0x41: {  	_ =	shalt  }
0x42: {  	_ =	shalt  }
0x43: {  	_ =	shalt  }
0x44: {  	_ =	shalt  }
0x45: {  	_ =	shalt  }
0x46: {  	_ =	shalt  }
0x47: {  	_ =	shalt  }
0x48: {  	_ =	shalt  }
0x49: {  	_ =	shalt  }
0x4a: {  	_ =	shalt  }
0x4b: {  	_ =	shalt  }
0x4c: {  	_ =	shalt  }
0x4d: {  	_ =	shalt  }
0x4e: {  	_ =	shalt  }
0x4f: {  	_ =	shalt  }
0x50: {  	_ =	shalt  }
0x51: {  	_ =	shalt  }
0x52: {  	_ =	shalt  }
0x53: {  	_ =	shalt  }
0x54: {  	_ =	shalt  }
0x55: {  	_ =	shalt  }
0x56: {  	_ =	shalt  }
0x57: {  	_ =	shalt  }
0x58: {  	_ =	shalt  }
0x59: {  	_ =	shalt  }
0x5a: {  	_ =	shalt  }
0x5b: {  	_ =	shalt  }
0x5c: {  	_ =	shalt  }
0x5d: {  	_ =	shalt  }
0x5e: {  	_ =	shalt  }
0x5f: {  	_ =	shalt  }
0x60: {  	_ =	shalt  }
0x61: {  	_ =	shalt  }
0x62: {  	_ =	shalt  }
0x63: {  	_ =	shalt  }
0x64: {  	_ =	shalt  }
0x65: {  	_ =	shalt  }
0x66: {  	_ =	shalt  }
0x67: {  	_ =	shalt  }
0x68: {  	_ =	shalt  }
0x69: {  	_ =	shalt  }
0x6a: {  	_ =	shalt  }
0x6b: {  	_ =	shalt  }
0x6c: {  	_ =	shalt  }
0x6d: {  	_ =	shalt  }
0x6e: {  	_ =	shalt  }
0x6f: {  	_ =	shalt  }
0x70: {  	_ =	shalt  }
0x71: {  	_ =	shalt  }
0x72: {  	_ =	shalt  }
0x73: {  	_ =	shalt  }
0x74: {  	_ =	shalt  }
0x75: {  	_ =	shalt  }
0x76: {  	_ =	shalt  }
0x77: {  	_ =	shalt  }
0x78: {  	_ =	shalt  }
0x79: {  	_ =	shalt  }
0x7a: {  	_ =	shalt  }
0x7b: {  	_ =	shalt  }
0x7c: {  	_ =	shalt  }
0x7d: {  	_ =	shalt  }
0x7e: {  	_ =	shalt  }
0x7f: {  	_ =	shalt  }
0x80: {  	_ =	shalt  }
0x81: {  	_ =	shalt  }
0x82: {  	_ =	shalt  }
0x83: {  	_ =	shalt  }
0x84: {  	_ =	shalt  }
0x85: {  	_ =	shalt  }
0x86: {  	_ =	shalt  }
0x87: {  	_ =	shalt  }
.Lfunc_end0:
.L_simem_size_0:
called_computation.1_lowered:
.L_overlay_start_0:
0x88: {  	s2 =	sld [smem:$0x3FD9]  }
0x89: {  	s3 =	sld [smem:$0x3FFE];
	_ =	sdelay $0x1  }
0x8a: {  	s1 =	srdreg.scid  }
0x8b: {  	s0 =	sand.u32 $0x1, s1  }
0x8c: {  	s17 =	sshll.u32 s0, $0xA;
	s2 =	sadd.s32 s3, s2  }
0x8d: {  	s2 =	sadd.s32 s2, s17  }
0x8e: {  	[smem:$0x3FC4] =	sst s2  }
0x8f: {  	_ = 	snop  }
0x90: {  	s2 =	sld [smem:$0x3FD0];
	(tm) =	ssettm $0x1  }
0x91: {  	s18 =	sld [smem:$0x3FFB];
	_ =	sdelay $0x3  }
0x92: {  	_ =	strace s18  }
0x93: {  	s3 =	sld [smem:$0x3FFC];
	_ =	sdelay $0x3  }
0x94: {  	_ =	strace s3  }
0x95: {  	s3 =	sld [smem:$0x3FFD];
	_ =	sdelay $0x3  }
0x96: {  	_ =	strace s3  }
0x97: {  	_ =	strace $0x8FFFFFFF  }
0x98: {  	s19 =	sld [smem:$0x3FDB];
	_ =	sdelay $0x1  }
0x99: {  	s4 =	simm.s32 $_scs_section_size  }
0x9a: {  	s5 =	simm.s32 $_size__tile_overlayer_lowered;
	s6 =	simm.s32 $_tile_overlayer_lowered  }
0x9b: {  	s22 =	simm.s32 $0x1BFF;
	s21 =	sshll.u32 s6, $0x1;
	s3 =	sadd.s32 s4, s19  }
0x9c: {  	s7 =	simm.s32 $0x0;
	s20 =	sshll.u32 s5, $0x1;
	s5 =	sadd.s32 s21, s3  }
0x9d: {  	[timem:s7], [sflag:s22] =	dma.local [hbm:s5], s20  }
0x9e: {  	_ =	swait.ge [sflag:s22], s20  }
0x9f: {  	s4 =	ssub.s32 $0x0, s20;
	[sflag:s22] =	ssyncset.done $0x0  }
0xa0: {  	[sflag:s22] =	ssyncadd.s32 s4;
	_ =	sdelay $0x1  }
0xa1: {  	s23 =	simm.s32 $0x1B8B  }
0xa2: {  	_ =	swait.ge [sflag:s23], $0x1  }
0xa3: {  	[sflag:s23] =	ssyncset.done $0x0  }
0xa4: {  	s25 =	simm.s32 $0x1B8E;
	s24 =	sld [smem:$0x3FFE];
	[sflag:s23] =	ssyncadd.s32 $0xFFFFFFFF  }
0xa5: {  	s26 =	simm.s32 $execute0_lowered;
	[smem:$0x3FD2] =	sst s25  }
0xa6: {  	s5 =	sshll.u32 s26, $0x1;
	_ =	strace $0x80000046;
	[dreg:$0x1] =	wrdreg $0xFFFFFFFF  }
0xa7: {  	s28 =	simm.s32 $_size_execute0_lowered;
	s3 =	sadd.s32 s3, s5;
	[dreg:$0x0] =	wrdreg $0x0  }
0xa8: {  	s5 =	sshll.u32 s28, $0x1;
	[dreg:$0x2] =	wrdreg s3  }
0xa9: {  	[dreg:$0x3] =	wrdreg s5  }
0xaa: {  	[dreg:$0x4] =	wrdreg $0xC0  }
0xab: {  	_ =	task [dreg:s7], $0x5FFFF  }
0xac: {  	[dreg:$0x1] =	wrdreg $0xFFFFFFFF  }
0xad: {  	[dreg:$0x0] =	wrdreg $0x60  }
0xae: {  	[dreg:$0x2] =	wrdreg s2  }
0xaf: {  	[dreg:$0x3] =	wrdreg s24  }
0xb0: {  	[dreg:$0x4] =	wrdreg $0x9  }
0xb1: {  	_ =	task.clear_ibuf [dreg:s7], $0x5FFFF;
	_ =	strace $0x90000046  }
0xb2: {  	s29 =	simm.s32 $0x9;
	_ =	strace $0x80000048  }
0xb3: {  	_ =	swait.ge [sflag:s29], $0x1  }
0xb4: {  	[sflag:s29] =	ssyncadd.s32 $0xFFFFFFFF  }
0xb5: {  	_ =	strace $0x90000048  }
0xb6: {  	_ =	sfence  }
0xb7: {  	s30 =	sld [smem:$0x0];
	_ =	sdelay $0x2  }
0xb8: {  	s31 =	sshll.u32 s1, $0xD;
	s1 =	sshrl.u32 s1, $0x2  }
0xb9: {  	s3 =	sand.u32 $0x4000, s31;
	s1 =	sadd.s32 s1, s30  }
0xba: {  	s0 =	sor.u32 s3, s0;
	s1 =	sshll.u32 s1, $0x11  }
0xbb: {  	s0 =	sor.u32 s1, s0  }
0xbc: {  	s0 =	sadd.s32 $0x8F2B, s0  }
0xbd: {  	[sflag:s0] =	ssyncadd.remote.s32 $0x1  }
0xbe: {  	_ =	sfence.sel $0xFFFF  }
0xbf: {  	[dreg:$0x0] =	wrdreg $0xFFFFFFFF;
	(pc) =	sbr.abs _section_cstart, $3  }
0xc0: {  	[dreg:$0x1] =	wrdreg $0xFFFFFFFF  }
0xc1: {  	_ =	task.clear_ibuf [dreg:s7], $0x2FFFF;
	_ =	strace $0x9FFFFFFF  }
0xc2: {  	(tm) =	ssettm $0x7FFFFFFF  }
0xc3: {  	_ =	shalt  }
tec
execute0_lowered:
.L_overlay_start_1:
0x0: {  	(tag) =	ssettag $0x1  }
0x1: {  	s0 =	rddreg [dreg:$0x0];
	s1 =	srdreg.scid  }
0x2: {  	s12 =	stileid.u32;
	s2 =	rddreg [dreg:$0x1]  }
0x3: {  	s4 =	simm.s32 $0x0;
	s14 =	simm.s32 $0xC8;
	s28 =	simm.s32 $0x6  }
0x4: {  	s29 =	simm.s32 $0xA;
	s30 =	simm.s32 $0x4;
	s31 =	simm.s32 $0x7  }
0x5: {  	s17 =	simm.s32 $0xC800;
	s1 =	sand.u32 $0x1, s1;
	s3 =	sshll.u32 s12, $0x1  }
0x6: {  	[smem:$0x7FF] =	sst s4;
	s4 =	sadd.s32 $0x19E00, s2;
	s5 =	sadd.s32 $0x1A200, s2  }
0x7: {  	s21 =	smul.u32 $0xC8000, s12;
	s6 =	sor.u32 s1, s3;
	_ =	strace $0x80000047  }
0x8: {  	s9 =	ssub.s32 $0x2, s1;
	s23 =	sshll.u32 s1, $0x7;
	s1 =	smul.u32 $0x64000, s1  }
0x9: {  	s22 =	sshll.u32 s12, $0x8;
	s3 =	sadd.s32 $0xF43200, s2;
	s7 =	smul.u32 $0xC80, s6  }
0xa: {  	s10 =	sshrl.u32 s9, $0x1;
	s11 =	sshll.u32 s6, $0x7;
	s20 =	smul.u32 $0x320000, s6  }
0xb: {  	s6 =	sadd.s32 s21, s5;
	s21 =	simm.s32 $0x2;
	s18 =	ssub.s32 s9, s10  }
0xc: {  	[dreg:$0x3] =	wrdreg s11;
	s25 =	sadd.s32 s1, s6;
	s8 =	sadd.s32 s7, s2  }
0xd: {  	s0 =	sadd.s32 s0, s7;
	s7 =	sor.u32 s23, s22;
	s24 =	smax.u32 s18, $0x1  }
0xe: {  	[dreg:$0x8] =	wrdreg s25;
	s22 =	simm.s32 $0x5;
	s23 =	simm.s32 $0x20  }
0xf: {  	s25 =	simm.s32 $0x9;
	s2 =	simm.s32 $0x0;
	s18 =	simm.s32 $0x11300  }
0x10: {  	[dreg:$0x4] =	wrdreg s0;
	s19 =	sadd.s32 $0xE00, s8;
	s0 =	sshrl.u32 s20, $0x3  }
0x11: {  	s7 =	smul.u32 $0x6400, s7;
	[dreg:$0x7] =	wrdreg s24;
	s0 =	sadd.s32 s5, s0  }
0x12: {  	s24 =	simm.s32 $0x80;
	[dreg:$0x5] =	wrdreg s19;
	s0 =	sadd.s32 $0x63380, s0  }
0x13: {  	s20 =	simm.s32 $0xE100;
	s26 =	sadd.s32 $0xFFFF9C00, s7;
	[dreg:$0x6] =	wrdreg s0  }
0x14: {  	s19 =	simm.s32 $0xFA00;
	[dreg:$0x9] =	wrdreg s26;
	s26 =	simm.s32 $0x3  }
.LBB2_1:
0x15: {  	[dreg:$0xa] =	wrdreg s2  }
0x16: {  	s0 =	simm.s32 $0x0;
	s1 =	rddreg [dreg:$0x4];
	s12 =	simm.s32 $0xD  }
0x17: {  	[tilespmem:s0], [sflag:$0xD] =	stream.linear.gather [hbm4b:s1+s0], $0x6400, $0x38;
	[tilespmem:$0x12C00] =	vst v63  }
0x18: {  	_ =	swait.ge [sflag:s12], $0x6400  }
0x19: {  	[sflag:s12] =	ssyncset.done $0x0  }
0x1a: {  	s6 =	simm.s32 $0x6400;
	s13 =	rddreg [dreg:$0x5];
	[sflag:s12] =	ssyncadd.s32 $0xFFFF9C00  }
0x1b: {  	[tilespmem:s6], [sflag:$0xD] =	stream.linear.gather [hbm4b:s13+s0], $0x6400, $0x38;
	[tilespmem:$0x12C00] =	vst v63  }
0x1c: {  	_ =	swait.ge [sflag:s12], $0x6400  }
0x1d: {  	[sflag:s12] =	ssyncset.done $0x0  }
0x1e: {  	s9 =	simm.s32 $0xC800;
	p0 =	por $0x1, $0x1;
	[sflag:s12] =	ssyncadd.s32 $0xFFFF9C00  }
0x1f: {  	[tilespmem:s9], [sflag:$0x1] =	stream.indirect.gather [hbm4b:s4+s14], $0x20, s6, s14, $0xb8;
	[tilespmem:$0x12C00] =	vst v63  }
0x20: {  	s15 =	simm.s32 $0x64C8;
	s11 =	simm.s32 $0xE100;
	s0 =	simm.s32 @!p0 $0xB  }
0x21: {  	[tilespmem:s11], [sflag:$0x2] =	stream.indirect.gather [hbm4b:s4+s14], $0x20, s15, s14, $0xb8;
	[tilespmem:$0x12C00] =	vst v63  }
0x22: {  	_ =	swait.ge @!p0 [sflag:s0], $0x1900  }
0x23: {  	s16 =	simm.s32 $0x6590;
	[sflag:s0] =	ssyncset.done @!p0 $0x0  }
0x24: {  	s12 =	simm.s32 $0xFA00;
	[sflag:s0] =	ssyncadd.s32 @!p0 $0xFFFFE700;
	s0 =	simm.s32 $0x1  }
0x25: {  	[tilespmem:s12], [sflag:$0x3] =	stream.indirect.gather [hbm4b:s4+s14], $0x20, s16, s14, $0xb8;
	[tilespmem:$0x12C00] =	vst v63  }
0x26: {  	_ =	swait.ge [sflag:s0], $0x1900  }
0x27: {  	[sflag:s0] =	ssyncset.done $0x0  }
0x28: {  	s2 =	simm.s32 $0x0;
	s1 =	simm.s32 @!p0 $0x8;
	[sflag:s0] =	ssyncadd.s32 $0xFFFFE700  }
0x29: {  	[tilespmem:s9], [sflag:$0x5] =	stream.indirect.gather.add.f32 [hbm:s3], $0x20, s2, s14, $0xb8;
	[tilespmem:$0x12C00] =	vst v63  }
0x2a: {  	_ =	swait.ge @!p0 [sflag:s1], $0x1900  }
0x2b: {  	s8 =	simm.s32 @!p0 $0x80;
	s6 =	simm.s32 @!p0 $0xC;
	s10 =	rddreg [dreg:$0x9]  }
0x2c: {  	s0 =	simm.s32 @!p0 $0x11300;
	[sflag:s1] =	ssyncset.done @!p0 $0x0;
	s7 =	sshrl.u32 @!p0 s10, $0x3  }
0x2d: {  	[sflag:s1] =	ssyncadd.s32 @!p0 $0xFFFFE700;
	s1 =	sadd.s32 @!p0 s5, s7;
	s7 =	simm.s32 @!p0 $0x20  }
0x2e: {  	[hbm4b:s1+s7] =	stream.strided.scatter @!p0 [tilespmem:s0], [sflag:$0xC], $0x1900, s8, s7, $0x38;
	[tilespmem:$0x12C00] =	vst v63  }
0x2f: {  	_ =	swait.ge @!p0 [sflag:s6], $0x1900  }
0x30: {  	s0 =	simm.s32 $0x1;
	s8 =	simm.s32 $0x11300;
	[sflag:s6] =	ssyncset.done @!p0 $0x0  }
0x31: {  	s0 =	simm.s32 @p0 $0x1;
	[sflag:s6] =	ssyncadd.s32 @!p0 $0xFFFFE700;
	s6 =	simm.s32 $0x6658  }
0x32: {  	[tilespmem:s8], [sflag:$0x4] =	stream.indirect.gather [hbm4b:s4+s14], $0x20, s6, s14, $0xb8;
	[tilespmem:$0x12C00] =	vst v63  }
0x33: {  	s7 =	smul.u32 $0x320, s0;
	_ =	swait.ge [sflag:s21], $0x1900  }
0x34: {  	[sflag:s21] =	ssyncset.done $0x0  }
0x35: {  	s1 =	sshra.s32 s7, $0x2;
	[sflag:s21] =	ssyncadd.s32 $0xFFFFE700  }
0x36: {  	[tilespmem:s11], [sflag:$0x6] =	stream.indirect.gather.add.f32 [hbm:s3], $0x20, s1, s14, $0xb8;
	[tilespmem:$0x12C00] =	vst v63  }
0x37: {  	_ =	swait.ge [sflag:s22], $0x1900  }
0x38: {  	[sflag:s22] =	ssyncset.done $0x0  }
0x39: {  	s2 =	rddreg [dreg:$0x8];
	[sflag:s22] =	ssyncadd.s32 $0xFFFFE700  }
0x3a: {  	[hbm4b:s2+s23] =	stream.strided.scatter [tilespmem:s9], [sflag:$0x9], $0x1900, s24, s23, $0x38;
	[tilespmem:$0x12C00] =	vst v63  }
0x3b: {  	p0 =	por $0x0, $0x0;
	_ =	swait.ge [sflag:s25], $0x1900  }
0x3c: {  	s6 =	simm.s32 @!p0 $0x6720;
	[sflag:s25] =	ssyncset.done $0x0  }
0x3d: {  	s7 =	simm.s32 @!p0 $0xC8;
	s1 =	simm.s32 @!p0 $0xC800;
	[sflag:s25] =	ssyncadd.s32 $0xFFFFE700  }
0x3e: {  	[tilespmem:s1], [sflag:$0x1] =	stream.indirect.gather @!p0 [hbm4b:s4+s7], $0x20, s6, s7, $0xb8;
	[tilespmem:$0x12C00] =	vst v63  }
0x3f: {  	_ =	swait.ge [sflag:s26], $0x1900  }
0x40: {  	[sflag:s26] =	ssyncset.done $0x0  }
0x41: {  	s13 =	simm.s32 $0x190;
	[sflag:s26] =	ssyncadd.s32 $0xFFFFE700  }
0x42: {  	[tilespmem:s12], [sflag:$0x7] =	stream.indirect.gather.add.f32 [hbm:s3], $0x20, s13, s14, $0xb8;
	[tilespmem:$0x12C00] =	vst v63  }
0x43: {  	_ =	swait.ge [sflag:s28], $0x1900  }
0x44: {  	s15 =	rddreg [dreg:$0x3]  }
0x45: {  	s0 =	sadd.s32 s15, s0  }
0x46: {  	s0 =	smul.u32 $0xC80, s0  }
0x47: {  	[sflag:s28] =	ssyncset.done $0x0  }
0x48: {  	[sflag:s28] =	ssyncadd.s32 $0xFFFFE700;
	s0 =	sadd.s32 s5, s0  }
0x49: {  	[hbm4b:s0+s23] =	stream.strided.scatter [tilespmem:s11], [sflag:$0xA], $0x1900, s24, s23, $0x38;
	[tilespmem:$0x12C00] =	vst v63  }
0x4a: {  	_ =	swait.ge [sflag:s29], $0x1900  }
0x4b: {  	[sflag:s29] =	ssyncset.done $0x0  }
0x4c: {  	s1 =	simm.s32 @!p0 $0xE100;
	s0 =	simm.s32 @!p0 $0x67E8;
	[sflag:s29] =	ssyncadd.s32 $0xFFFFE700  }
0x4d: {  	[tilespmem:s1], [sflag:$0x2] =	stream.indirect.gather @!p0 [hbm4b:s4+s7], $0x20, s0, s7, $0xb8;
	[tilespmem:$0x12C00] =	vst v63  }
0x4e: {  	_ =	swait.ge [sflag:s30], $0x1900  }
0x4f: {  	p1 =	por $0x0, $0x0;
	s16 =	simm.s32 $0x258;
	[sflag:s30] =	ssyncset.done $0x0  }
0x50: {  	s9 =	simm.s32 $0x1900;
	s6 =	sadd.s32 $0x3200, s2;
	[sflag:s30] =	ssyncadd.s32 $0xFFFFE700  }
0x51: {  	[tilespmem:s8], [sflag:$0x8] =	stream.indirect.gather.add.f32 [hbm:s3], $0x20, s16, s14, $0xb8;
	[tilespmem:$0x12C00] =	vst v63  }
0x52: {  	s13 =	simm.s32 $0xC80;
	s7 =	simm.s32 $0x5;
	_ =	swait.ge [sflag:s31], $0x1900  }
0x53: {  	s0 =	sadd.s32 $0x1900, s2;
	s8 =	sadd.s32 $0x19000, s10;
	[sflag:s31] =	ssyncset.done $0x0  }
.LBB2_2:
0x54: {  	s11 =	simm.s32 @!p1 $0xB;
	[sflag:s31] =	ssyncadd.s32 $0xFFFFE700  }
0x55: {  	[hbm4b:s0+s23] =	stream.strided.scatter [tilespmem:s19], [sflag:$0xB], $0x1900, s24, s23, $0x38;
	[tilespmem:$0x12C00] =	vst v63  }
0x56: {  	_ =	swait.ge @!p1 [sflag:s11], $0x1900  }
0x57: {  	s0 =	sshra.s32 s13, $0x2;
	[sflag:s11] =	ssyncset.done @!p1 $0x0  }
0x58: {  	s2 =	simm.s32 $0x1;
	s12 =	sadd.s32 $0x6590, s0;
	[sflag:s11] =	ssyncadd.s32 @!p1 $0xFFFFE700  }
0x59: {  	[tilespmem:s19], [sflag:$0x3] =	stream.indirect.gather [hbm4b:s4+s14], $0x20, s12, s14, $0xb8;
	[tilespmem:$0x12C00] =	vst v63  }
0x5a: {  	_ =	swait.ge [sflag:s2], $0x1900  }
0x5b: {  	[sflag:s2] =	ssyncset.done $0x0  }
0x5c: {  	s11 =	simm.s32 @!p1 $0x8;
	[sflag:s2] =	ssyncadd.s32 $0xFFFFE700  }
0x5d: {  	[tilespmem:s17], [sflag:$0x5] =	stream.indirect.gather.add.f32 [hbm:s3], $0x20, s0, s14, $0xb8;
	[tilespmem:$0x12C00] =	vst v63  }
0x5e: {  	s10 =	simm.s32 @!p1 $0x11300;
	s15 =	simm.s32 @!p1 $0x80;
	_ =	swait.ge @!p1 [sflag:s11], $0x1900  }
0x5f: {  	s12 =	simm.s32 @!p1 $0xC;
	s2 =	sshrl.u32 @!p1 s8, $0x3;
	[sflag:s11] =	ssyncset.done @!p1 $0x0  }
0x60: {  	s2 =	sadd.s32 @!p1 s5, s2;
	[sflag:s11] =	ssyncadd.s32 @!p1 $0xFFFFE700;
	s11 =	simm.s32 @!p1 $0x20  }
0x61: {  	[hbm4b:s2+s11] =	stream.strided.scatter @!p1 [tilespmem:s10], [sflag:$0xC], $0x1900, s15, s11, $0x38;
	[tilespmem:$0x12C00] =	vst v63  }
0x62: {  	_ =	swait.ge @!p1 [sflag:s12], $0x1900  }
0x63: {  	s2 =	smov.u32 s7;
	[sflag:s12] =	ssyncset.done @!p1 $0x0  }
0x64: {  	s15 =	sadd.s32 $0x6658, s0;
	s2 =	simm.s32 @p1 $0x1;
	[sflag:s12] =	ssyncadd.s32 @!p1 $0xFFFFE700  }
0x65: {  	[tilespmem:s18], [sflag:$0x4] =	stream.indirect.gather [hbm4b:s4+s14], $0x20, s15, s14, $0xb8;
	[tilespmem:$0x12C00] =	vst v63  }
0x66: {  	s11 =	smul.u32 $0x320, s2;
	_ =	swait.ge [sflag:s21], $0x1900  }
0x67: {  	[sflag:s21] =	ssyncset.done $0x0  }
0x68: {  	s10 =	sshra.s32 s11, $0x2;
	[sflag:s21] =	ssyncadd.s32 $0xFFFFE700  }
0x69: {  	[tilespmem:s20], [sflag:$0x6] =	stream.indirect.gather.add.f32 [hbm:s3], $0x20, s10, s14, $0xb8;
	[tilespmem:$0x12C00] =	vst v63  }
0x6a: {  	_ =	swait.ge [sflag:s22], $0x1900  }
0x6b: {  	[sflag:s22] =	ssyncset.done $0x0  }
0x6c: {  	[sflag:s22] =	ssyncadd.s32 $0xFFFFE700  }
0x6d: {  	[hbm4b:s6+s23] =	stream.strided.scatter [tilespmem:s17], [sflag:$0x9], $0x1900, s24, s23, $0x38;
	[tilespmem:$0x12C00] =	vst v63  }
0x6e: {  	p1 =	seq.s32 s13, $0x18380;
	_ =	swait.ge [sflag:s25], $0x1900  }
0x6f: {  	s11 =	simm.s32 @!p1 $0xC800;
	s10 =	sshra.s32 @!p1 s13, $0x2;
	[sflag:s25] =	ssyncset.done $0x0  }
0x70: {  	s15 =	simm.s32 @!p1 $0xC8;
	s12 =	sadd.s32 @!p1 $0x6720, s10;
	[sflag:s25] =	ssyncadd.s32 $0xFFFFE700  }
0x71: {  	[tilespmem:s11], [sflag:$0x1] =	stream.indirect.gather @!p1 [hbm4b:s4+s15], $0x20, s12, s15, $0xb8;
	[tilespmem:$0x12C00] =	vst v63  }
0x72: {  	_ =	swait.ge [sflag:s26], $0x1900  }
0x73: {  	[sflag:s26] =	ssyncset.done $0x0  }
0x74: {  	s12 =	sadd.s32 $0x190, s0;
	[sflag:s26] =	ssyncadd.s32 $0xFFFFE700  }
0x75: {  	[tilespmem:s19], [sflag:$0x7] =	stream.indirect.gather.add.f32 [hbm:s3], $0x20, s12, s14, $0xb8;
	[tilespmem:$0x12C00] =	vst v63  }
0x76: {  	s16 =	smov.u32 s9;
	_ =	swait.ge [sflag:s28], $0x1900  }
0x77: {  	s13 =	smov.u32 s16;
	s16 =	rddreg [dreg:$0x3]  }
0x78: {  	s2 =	sadd.s32 s16, s2  }
0x79: {  	s2 =	smul.u32 $0xC80, s2  }
0x7a: {  	[sflag:s28] =	ssyncset.done $0x0  }
0x7b: {  	[sflag:s28] =	ssyncadd.s32 $0xFFFFE700;
	s2 =	sadd.s32 s5, s2  }
0x7c: {  	[hbm4b:s2+s23] =	stream.strided.scatter [tilespmem:s20], [sflag:$0xA], $0x1900, s24, s23, $0x38;
	[tilespmem:$0x12C00] =	vst v63  }
0x7d: {  	_ =	swait.ge [sflag:s29], $0x1900  }
0x7e: {  	s9 =	sadd.s32 $0xC80, s9;
	[sflag:s29] =	ssyncset.done $0x0  }
0x7f: {  	s10 =	sadd.s32 @!p1 $0x67E8, s10;
	s2 =	simm.s32 @!p1 $0xE100;
	[sflag:s29] =	ssyncadd.s32 $0xFFFFE700  }
0x80: {  	[tilespmem:s2], [sflag:$0x2] =	stream.indirect.gather @!p1 [hbm4b:s4+s15], $0x20, s10, s15, $0xb8;
	[tilespmem:$0x12C00] =	vst v63  }
0x81: {  	p0 =	sne.s32 s9, $0x19000;
	_ =	swait.ge [sflag:s30], $0x1900  }
.Ltmp0:
0x82: {  	s1 =	smov.u32 s6;
	[sflag:s30] =	ssyncset.done $0x0;
	(pc) =	sbr.rel @p0 .LBB2_2-.Ltmp0, $4  }
0x83: {  	s8 =	sadd.s32 $0x19000, s8;
	s0 =	sadd.s32 $0x258, s0;
	[sflag:s30] =	ssyncadd.s32 $0xFFFFE700  }
0x84: {  	[tilespmem:s18], [sflag:$0x8] =	stream.indirect.gather.add.f32 [hbm:s3], $0x20, s0, s14, $0xb8;
	[tilespmem:$0x12C00] =	vst v63  }
0x85: {  	s7 =	sadd.s32 $0x4, s7;
	s6 =	sadd.s32 $0x3200, s6;
	_ =	swait.ge [sflag:s31], $0x1900  }
0x86: {  	p1 =	seq.s32 s13, $0x0;
	s0 =	sadd.s32 $0x1900, s1;
	[sflag:s31] =	ssyncset.done $0x0  }
0x87: {  	s1 =	simm.s32 @!p1 $0xB;
	[sflag:s31] =	ssyncadd.s32 $0xFFFFE700;
	s15 =	simm.s32 $0xFA00  }
0x88: {  	[hbm4b:s0+s23] =	stream.strided.scatter [tilespmem:s15], [sflag:$0xB], $0x1900, s24, s23, $0x38;
	[tilespmem:$0x12C00] =	vst v63  }
0x89: {  	_ =	swait.ge @!p1 [sflag:s1], $0x1900  }
0x8a: {  	s0 =	sshra.s32 s13, $0x2;
	[sflag:s1] =	ssyncset.done @!p1 $0x0  }
0x8b: {  	s2 =	simm.s32 $0x1;
	s16 =	sadd.s32 $0x6590, s0;
	[sflag:s1] =	ssyncadd.s32 @!p1 $0xFFFFE700  }
0x8c: {  	[tilespmem:s15], [sflag:$0x3] =	stream.indirect.gather [hbm4b:s4+s14], $0x20, s16, s14, $0xb8;
	[tilespmem:$0x12C00] =	vst v63  }
0x8d: {  	_ =	swait.ge [sflag:s2], $0x1900  }
0x8e: {  	[sflag:s2] =	ssyncset.done $0x0  }
0x8f: {  	s10 =	simm.s32 $0xC800;
	s1 =	simm.s32 @!p1 $0x8;
	[sflag:s2] =	ssyncadd.s32 $0xFFFFE700  }
0x90: {  	[tilespmem:s10], [sflag:$0x5] =	stream.indirect.gather.add.f32 [hbm:s3], $0x20, s0, s14, $0xb8;
	[tilespmem:$0x12C00] =	vst v63  }
0x91: {  	s8 =	sshrl.u32 @!p1 s8, $0x3;
	_ =	swait.ge @!p1 [sflag:s1], $0x1900  }
0x92: {  	s9 =	simm.s32 @!p1 $0x80;
	s2 =	simm.s32 @!p1 $0x11300;
	[sflag:s1] =	ssyncset.done @!p1 $0x0  }
0x93: {  	[sflag:s1] =	ssyncadd.s32 @!p1 $0xFFFFE700;
	s1 =	sadd.s32 @!p1 s5, s8;
	s8 =	simm.s32 @!p1 $0x20  }
0x94: {  	[hbm4b:s1+s8] =	stream.strided.scatter @!p1 [tilespmem:s2], [sflag:$0xC], $0x1900, s9, s8, $0x38;
	[tilespmem:$0x12C00] =	vst v63  }
0x95: {  	s1 =	simm.s32 @!p1 $0xC  }
0x96: {  	_ =	swait.ge @!p1 [sflag:s1], $0x1900  }
0x97: {  	s7 =	simm.s32 @p1 $0x1;
	[sflag:s1] =	ssyncset.done @!p1 $0x0  }
0x98: {  	s12 =	simm.s32 $0x11300;
	s9 =	sadd.s32 $0x6658, s0;
	[sflag:s1] =	ssyncadd.s32 @!p1 $0xFFFFE700  }
0x99: {  	[tilespmem:s12], [sflag:$0x4] =	stream.indirect.gather [hbm4b:s4+s14], $0x20, s9, s14, $0xb8;
	[tilespmem:$0x12C00] =	vst v63  }
0x9a: {  	s11 =	smul.u32 $0x320, s7;
	_ =	swait.ge [sflag:s21], $0x1900  }
0x9b: {  	[sflag:s21] =	ssyncset.done $0x0  }
0x9c: {  	s1 =	sshra.s32 s11, $0x2;
	s11 =	simm.s32 $0xE100;
	[sflag:s21] =	ssyncadd.s32 $0xFFFFE700  }
0x9d: {  	[tilespmem:s11], [sflag:$0x6] =	stream.indirect.gather.add.f32 [hbm:s3], $0x20, s1, s14, $0xb8;
	[tilespmem:$0x12C00] =	vst v63  }
0x9e: {  	_ =	swait.ge [sflag:s22], $0x1900  }
0x9f: {  	[sflag:s22] =	ssyncset.done $0x0  }
0xa0: {  	[sflag:s22] =	ssyncadd.s32 $0xFFFFE700  }
0xa1: {  	[hbm4b:s6+s23] =	stream.strided.scatter [tilespmem:s10], [sflag:$0x9], $0x1900, s24, s23, $0x38;
	[tilespmem:$0x12C00] =	vst v63  }
0xa2: {  	p0 =	seq.s32 s13, $0x18380;
	_ =	swait.ge [sflag:s25], $0x1900  }
0xa3: {  	s2 =	simm.s32 @!p0 $0xC800;
	s1 =	sshra.s32 @!p0 s13, $0x2;
	[sflag:s25] =	ssyncset.done $0x0  }
0xa4: {  	s9 =	simm.s32 @!p0 $0xC8;
	s8 =	sadd.s32 @!p0 $0x6720, s1;
	[sflag:s25] =	ssyncadd.s32 $0xFFFFE700  }
0xa5: {  	[tilespmem:s2], [sflag:$0x1] =	stream.indirect.gather @!p0 [hbm4b:s4+s9], $0x20, s8, s9, $0xb8;
	[tilespmem:$0x12C00] =	vst v63  }
0xa6: {  	_ =	swait.ge [sflag:s26], $0x1900  }
0xa7: {  	[sflag:s26] =	ssyncset.done $0x0  }
0xa8: {  	s16 =	sadd.s32 $0x190, s0;
	[sflag:s26] =	ssyncadd.s32 $0xFFFFE700  }
0xa9: {  	[tilespmem:s15], [sflag:$0x7] =	stream.indirect.gather.add.f32 [hbm:s3], $0x20, s16, s14, $0xb8;
	[tilespmem:$0x12C00] =	vst v63  }
0xaa: {  	_ =	swait.ge [sflag:s28], $0x1900  }
0xab: {  	s8 =	rddreg [dreg:$0x3]  }
0xac: {  	s2 =	sadd.s32 s8, s7  }
0xad: {  	s2 =	smul.u32 $0xC80, s2  }
0xae: {  	[sflag:s28] =	ssyncset.done $0x0  }
0xaf: {  	[sflag:s28] =	ssyncadd.s32 $0xFFFFE700;
	s2 =	sadd.s32 s5, s2  }
0xb0: {  	[hbm4b:s2+s23] =	stream.strided.scatter [tilespmem:s11], [sflag:$0xA], $0x1900, s24, s23, $0x38;
	[tilespmem:$0x12C00] =	vst v63  }
0xb1: {  	_ =	swait.ge [sflag:s29], $0x1900  }
0xb2: {  	[sflag:s29] =	ssyncset.done $0x0  }
0xb3: {  	s1 =	sadd.s32 @!p0 $0x67E8, s1;
	s2 =	simm.s32 @!p0 $0xE100;
	[sflag:s29] =	ssyncadd.s32 $0xFFFFE700  }
0xb4: {  	[tilespmem:s2], [sflag:$0x2] =	stream.indirect.gather @!p0 [hbm4b:s4+s9], $0x20, s1, s9, $0xb8;
	[tilespmem:$0x12C00] =	vst v63  }
0xb5: {  	_ =	swait.ge [sflag:s30], $0x1900  }
0xb6: {  	[sflag:s30] =	ssyncset.done $0x0  }
0xb7: {  	s0 =	sadd.s32 $0x258, s0;
	[sflag:s30] =	ssyncadd.s32 $0xFFFFE700  }
0xb8: {  	[tilespmem:s12], [sflag:$0x8] =	stream.indirect.gather.add.f32 [hbm:s3], $0x20, s0, s14, $0xb8;
	[tilespmem:$0x12C00] =	vst v63  }
0xb9: {  	_ =	swait.ge [sflag:s31], $0x1900  }
0xba: {  	[sflag:s31] =	ssyncset.done $0x0  }
0xbb: {  	s10 =	simm.s32 $0x8;
	s9 =	sadd.s32 $0x1900, s6;
	[sflag:s31] =	ssyncadd.s32 $0xFFFFE700  }
0xbc: {  	[hbm4b:s9+s23] =	stream.strided.scatter [tilespmem:s15], [sflag:$0xB], $0x1900, s24, s23, $0x38;
	[tilespmem:$0x12C00] =	vst v63  }
0xbd: {  	_ =	swait.ge [sflag:s10], $0x1900  }
0xbe: {  	[sflag:s10] =	ssyncset.done $0x0  }
0xbf: {  	s11 =	rddreg [dreg:$0x6];
	[sflag:s10] =	ssyncadd.s32 $0xFFFFE700  }
0xc0: {  	[hbm4b:s11+s23] =	stream.strided.scatter [tilespmem:s12], [sflag:$0xC], $0x1900, s24, s23, $0x38;
	[tilespmem:$0x12C00] =	vst v63  }
0xc1: {  	s12 =	simm.s32 $0xB  }
0xc2: {  	_ =	swait.ge [sflag:s12], $0x1900  }
0xc3: {  	[sflag:s12] =	ssyncset.done $0x0  }
0xc4: {  	s13 =	simm.s32 $0xC;
	[sflag:s12] =	ssyncadd.s32 $0xFFFFE700  }
0xc5: {  	_ =	swait.ge [sflag:s13], $0x1900  }
0xc6: {  	s15 =	rddreg [dreg:$0xa]  }
0xc7: {  	s16 =	rddreg [dreg:$0x7];
	s2 =	sadd.s32 $0x1, s15  }
0xc8: {  	p0 =	sne.s32 s2, s16  }
.Ltmp1:
0xc9: {  	_ = 	snop;
	(pc) =	sbr.rel @p0 .LBB2_1-.Ltmp1, $3  }
0xca: {  	_ =	sdelay $0x1  }
0xcb: {  	[sflag:s13] =	ssyncset.done $0x0  }
0xcc: {  	[sflag:s13] =	ssyncadd.s32 $0xFFFFE700  }
0xcd: {  	_ =	sfence.sel $0x180000  }
0xce: {  	[bflag:$0x0] =	sbarrier.arrive $0xFFFF  }
0xcf: {  	_ =	strace $0x90000047  }
0xd0: {  	s0 =	stileid.u32;
	[bflag:$0x2] =	sbarrier.arrive $0xFFFF  }
0xd1: {  	p0 =	sne.s32 s0, $0x0;
	s0 =	rddreg [dreg:$0x2]  }
0xd2: {  	s0 =	sadd.s32 @!p0 $0x100000, s0  }
0xd3: {  	[sflag:s0] =	ssyncadd.tile.s32 @!p0 $0x1;
	_ =	shalt  }
.Lfunc_end2:
_tile_overlayer_lowered:
.L_overlay_start_2:
0xd4: {  	(tag) =	ssettag $0x2  }
0xd5: {  	s0 =	rddreg [dreg:$0x0];
	s2 =	stileid.u32  }
0xd6: {  	s1 =	rddreg [dreg:$0x1];
	p0 =	sne.s32 s2, $0x0  }
0xd7: {  	s3 =	rddreg [dreg:$0x2];
	[bflag:$0x3] =	sbarrier.arrive $0xFFFF;
	s2 =	simm.s32 @!p0 $0x1C0D  }
0xd8: {  	[timem:s3], [sflag:s2] =	dma.local @!p0 [hbm:s0], s1  }
0xd9: {  	s0 =	simm.s32 @!p0 $0xD  }
0xda: {  	_ =	swait.ge @!p0 [sflag:s0], s1  }
0xdb: {  	s1 =	ssub.s32 @!p0 $0x0, s1;
	[sflag:s0] =	ssyncset.done @!p0 $0x0  }
0xdc: {  	[sflag:s0] =	ssyncadd.s32 @!p0 s1  }
0xdd: {  	[bflag:$0x3] =	sbarrier.arrive $0xFFFF  }
0xde: {  	_ =	shalt  }

// kernel: sparse-core-data-format-call.cloned.1.call-start
scs
called_computation_lowered:
.L_overlay_start_0:
0x0: {  	s2 =	sld [smem:$0x3FD9]  }
0x1: {  	s3 =	sld [smem:$0x3FFE];
	_ =	sdelay $0x1  }
0x2: {  	s1 =	srdreg.scid  }
0x3: {  	s0 =	sand.u32 $0x1, s1  }
0x4: {  	s18 =	sshll.u32 s0, $0xA;
	s2 =	sadd.s32 s3, s2  }
0x5: {  	s2 =	sadd.s32 s2, s18  }
0x6: {  	[smem:$0x3FC4] =	sst s2  }
0x7: {  	_ = 	snop  }
0x8: {  	s2 =	sld [smem:$0x3FD0];
	(tm) =	ssettm $0x1  }
0x9: {  	s19 =	sld [smem:$0x3FFB];
	_ =	sdelay $0x3  }
0xa: {  	_ =	strace s19  }
0xb: {  	s3 =	sld [smem:$0x3FFC];
	_ =	sdelay $0x3  }
0xc: {  	_ =	strace s3  }
0xd: {  	s3 =	sld [smem:$0x3FFD];
	_ =	sdelay $0x3  }
0xe: {  	_ =	strace s3  }
0xf: {  	_ =	strace $0x8FFFFFFF  }
0x10: {  	s20 =	sld [smem:$0x3FDB];
	_ =	sdelay $0x1  }
0x11: {  	s4 =	simm.s32 $_scs_section_size  }
0x12: {  	s5 =	simm.s32 $_size__tile_overlayer_lowered;
	s6 =	simm.s32 $_tile_overlayer_lowered  }
0x13: {  	s23 =	simm.s32 $0x1BFF;
	s22 =	sshll.u32 s6, $0x1;
	s3 =	sadd.s32 s4, s20  }
0x14: {  	s7 =	simm.s32 $0x0;
	s21 =	sshll.u32 s5, $0x1;
	s5 =	sadd.s32 s22, s3  }
0x15: {  	[timem:s7], [sflag:s23] =	dma.local [hbm:s5], s21  }
0x16: {  	_ =	swait.ge [sflag:s23], s21  }
0x17: {  	s4 =	ssub.s32 $0x0, s21;
	[sflag:s23] =	ssyncset.done $0x0  }
0x18: {  	[sflag:s23] =	ssyncadd.s32 s4;
	_ =	sdelay $0x1  }
0x19: {  	s24 =	simm.s32 $0x1B8B  }
0x1a: {  	_ =	swait.ge [sflag:s24], $0x1  }
0x1b: {  	[sflag:s24] =	ssyncset.done $0x0  }
0x1c: {  	s26 =	simm.s32 $0x1B8E;
	s25 =	sld [smem:$0x3FFE];
	[sflag:s24] =	ssyncadd.s32 $0xFFFFFFFF  }
0x1d: {  	s27 =	simm.s32 $execute0_lowered;
	[smem:$0x3FD2] =	sst s26  }
0x1e: {  	s5 =	sshll.u32 s27, $0x1;
	_ =	strace $0x80000049;
	[dreg:$0x1] =	wrdreg $0xFFFFFFFF  }
0x1f: {  	s28 =	simm.s32 $_size_execute0_lowered;
	s3 =	sadd.s32 s3, s5;
	[dreg:$0x0] =	wrdreg $0x0  }
0x20: {  	s5 =	sshll.u32 s28, $0x1;
	[dreg:$0x2] =	wrdreg s3  }
0x21: {  	[dreg:$0x3] =	wrdreg s5  }
0x22: {  	[dreg:$0x4] =	wrdreg $0xC0  }
0x23: {  	_ =	task [dreg:s7], $0x5FFFF  }
0x24: {  	[dreg:$0x1] =	wrdreg $0xFFFFFFFF  }
0x25: {  	[dreg:$0x0] =	wrdreg $0x60  }
0x26: {  	[dreg:$0x2] =	wrdreg s25  }
0x27: {  	[dreg:$0x3] =	wrdreg s2  }
0x28: {  	[dreg:$0x4] =	wrdreg $0x9  }
0x29: {  	_ =	task.clear_ibuf [dreg:s7], $0x5FFFF;
	_ =	strace $0x90000049  }
0x2a: {  	s29 =	simm.s32 $0x9;
	_ =	strace $0x8000004B  }
0x2b: {  	_ =	swait.ge [sflag:s29], $0x1  }
0x2c: {  	[sflag:s29] =	ssyncadd.s32 $0xFFFFFFFF  }
0x2d: {  	_ =	strace $0x9000004B  }
0x2e: {  	_ =	sfence  }
0x2f: {  	s30 =	sld [smem:$0x0];
	_ =	sdelay $0x2  }
0x30: {  	s31 =	sshll.u32 s1, $0xD;
	s1 =	sshrl.u32 s1, $0x2  }
0x31: {  	s3 =	sand.u32 $0x4000, s31;
	s1 =	sadd.s32 s1, s30  }
0x32: {  	s0 =	sor.u32 s3, s0;
	s1 =	sshll.u32 s1, $0x11  }
0x33: {  	s0 =	sor.u32 s1, s0  }
0x34: {  	s0 =	sadd.s32 $0x8F2B, s0  }
0x35: {  	[sflag:s0] =	ssyncadd.remote.s32 $0x1  }
0x36: {  	_ =	sfence.sel $0xFFFF  }
0x37: {  	[dreg:$0x0] =	wrdreg $0xFFFFFFFF;
	(pc) =	sbr.abs _section_cstart, $3  }
0x38: {  	[dreg:$0x1] =	wrdreg $0xFFFFFFFF  }
0x39: {  	_ =	task.clear_ibuf [dreg:s7], $0x2FFFF;
	_ =	strace $0x9FFFFFFF  }
0x3a: {  	(tm) =	ssettm $0x7FFFFFFF  }
0x3b: {  	_ =	shalt  }
tec
execute0_lowered:
.L_overlay_start_1:
0x0: {  	(tag) =	ssettag $0x1  }
0x1: {  	s0 =	srdreg.scid  }
0x2: {  	s1 =	sshll.u32 s0, $0x4  }
0x3: {  	s0 =	stileid.u32;
	s1 =	sand.u32 $0x10, s1  }
0x4: {  	s1 =	sor.u32 s0, s1  }
0x5: {  	s6 =	rddreg [dreg:$0x0];
	s4 =	simm.s32 $0x1;
	s2 =	sshll.u32 s1, $0x7  }
0x6: {  	s7 =	simm.s32 $0x2;
	s12 =	simm.s32 $0x0;
	s1 =	ssub.s32 $0x1000, s2  }
0x7: {  	s8 =	simm.s32 $0x8000;
	s13 =	simm.s32 $0x0;
	s3 =	sand.u32 $0xF80, s1  }
0x8: {  	s9 =	simm.s32 $0x0;
	s5 =	sshrl.u32 s1, $0xC;
	p0 =	sne.s32 s3, $0x0  }
.Ltmp0:
0x9: {  	s1 =	rddreg [dreg:$0x2];
	s4 =	simm.s32 @!p0 $0x0;
	(pc) =	sbr.rel .LBB1_1-.Ltmp0, $4  }
0xa: {  	s11 =	simm.s32 $0x0;
	s3 =	rddreg [dreg:$0x1];
	s5 =	sadd.s32 s4, s5  }
0xb: {  	_ =	strace $0x8000004A;
	s4 =	simm.s32 $0x1;
	s5 =	smul.u32 $0xC8, s5  }
0xc: {  	s6 =	sadd.s32 $0x1A200, s6;
	s10 =	smov.u32 s2;
	[sflag:s4] =	ssyncpa.u1 $0x0  }
0xd: {  	p0 =	por $0x0, $0x0;
	[sflag:s7] =	ssyncpa.u1 $0x0;
	s7 =	sor.u32 $0x1, s5  }
.LBB1_4:
0xe: {  	s16 =	sshll.u32 s13, $0x3;
	s17 =	sand.u32 $0x78, s13  }
0xf: {  	s30 =	sand.u32 $0x3E00, s13;
	s12 =	sshll.u32 s12, $0xE;
	s16 =	sand.u32 $0xC00, s16  }
0x10: {  	s31 =	sand.u32 $0x7, s13;
	s16 =	sor.u32 s17, s16;
	s17 =	sadd.s32 s3, s30  }
0x11: {  	s13 =	sshll.u32 s31, $0x12;
	s16 =	sshrl.u32 s16, $0x3;
	s12 =	sadd.s32 s12, s17  }
0x12: {  	[tilespmem:s15+$0x0 ss:$0x81] =	vst.msk $0xffff, v0;
	s13 =	sor.u32 $0x400, s13;
	s12 =	sadd.s32 s16, s12  }
0x13: {  	[hbm4b:s12+s13] =	stream.strided.scatter [tilespmem:s14], [sflag:$0x2], $0x1000, s8, s13, $0x20;
	[tilespmem:$0x4040] =	vst v63  }
.LBB1_5:
0x14: {  	s14 =	sadd.s32 $0x1, s9  }
0x15: {  	s12 =	sadd.s32 $0x1000, s10;
	s16 =	smov.u32 s10;
	p2 =	sgt.s32 s14, $0xC7  }
0x16: {  	s16 =	smov.u32 @p2 s12  }
0x17: {  	s14 =	simm.s32 @p2 $0x0;
	p2 =	sgt.s32 s16, $0xFFF  }
0x18: {  	s16 =	smov.u32 @p2 s2;
	p2 =	sne.s32 s11, s7  }
.Ltmp1:
0x19: {  	p1 =	slt.u32 s11, $0x2;
	(pc) =	sbr.rel @!p2 .LBB1_6-.Ltmp1, $4  }
0x1a: {  	s15 =	simm.s32 @!p1 $0x2  }
0x1b: {  	s13 =	smov.u32 s10;
	p0 =	por !p0, !p0;
	_ =	swait.ge @!p1 [sflag:s15], $0x1000  }
0x1c: {  	s12 =	smov.u32 s9;
	[sflag:s15] =	ssyncset.done @!p1 $0x0;
	s9 =	smov.u32 s14  }
0x1d: {  	s11 =	sadd.s32 $0x1, s11;
	[sflag:s15] =	ssyncadd.s32 @!p1 $0xFFFFF000;
	s10 =	smov.u32 s16  }
.LBB1_1:
0x1e: {  	p1 =	sge.u32 s11, s5  }
0x1f: {  	s14 =	sand.u32 @!p1 $0x1FFFFFF, s9  }
0x20: {  	s15 =	smulhi.u32 @!p1 $0x147AE15, s14;
	_ =	sdelay $0x1  }
0x21: {  	s15 =	smul.u32 @!p1 $0xC8, s15  }
0x22: {  	s16 =	sxor.u32 @!p1 $0xFFFFFFFF, s11;
	s17 =	smul.u32 @!p1 $0xC80, s10  }
0x23: {  	s31 =	sadd.s32 $0xFFFFFFFF, s11;
	s16 =	sshll.u32 @!p1 s16, $0xC;
	s14 =	ssub.s32 @!p1 s14, s15  }
0x24: {  	s15 =	sand.u32 @!p1 $0x1000, s16;
	s16 =	sadd.s32 @!p1 s6, s17;
	s14 =	sshll.u32 @!p1 s14, $0x4  }
0x25: {  	s17 =	simm.s32 @!p1 $0x6400;
	s14 =	sadd.s32 @!p1 s14, s16;
	s16 =	simm.s32 @!p1 $0x20  }
0x26: {  	[tilespmem:s15], [sflag:$0x1] =	stream.strided.gather @!p1 [hbm4b:s14+s16], $0x1000, s17, s16, $0x38;
	[tilespmem:$0x4040] =	vst v63  }
0x27: {  	p1 =	sge.u32 s31, s5  }
.Ltmp2:
0x28: {  	_ = 	snop;
	(pc) =	sbr.rel @p1 .LBB1_5-.Ltmp2, $1  }
0x29: {  	_ =	sdelay $0x3  }
0x2a: {  	s14 =	simm.s32 $0x1  }
0x2b: {  	_ =	swait.ge [sflag:s4], $0x1000;
	s14 =	simm.s32 @!p0 $0x0  }
0x2c: {  	[sflag:s4] =	ssyncset.done $0x0;
	s15 =	sshll.u32 s14, $0xC  }
0x2d: {  	[sflag:s4] =	ssyncadd.s32 $0xFFFFF000;
	s18 =	sor.u32 $0x10, s15  }
0x2e: {  	s14 =	smul.u32 $0x4080, s14;
	v1 =	vld [tilespmem:s18+$0x0]  }
0x2f: {  	s30 =	sand.u32 $0x1, s11;
	v0 =	vld [tilespmem:s18+$0xFFFFFFF0]  }
0x30: {  	s15 =	smul.u32 $0x4080, s30;
	s14 =	sshrl.u32 s14, $0x2  }
0x31: {  	s16 =	sor.u32 $0x2000, s14  }
0x32: {  	s31 =	sshrl.u32 s15, $0x2;
	s15 =	sadd.s32 $0x0, s16  }
0x33: {  	s17 =	simm.s32 $0x4;
	s18 =	sadd.s32 $0x20, s18;
	s14 =	sor.u32 $0x2000, s31;
	[tilespmem:s15+$0x810 ss:$0x81] =	vst.msk $0xffff, v1  }
.LBB1_3:
0x34: {  	v1 =	vld [tilespmem:s18+$0x0];
	p1 =	sne.s32 s17, $0x1FC;
	[tilespmem:s15+$0x0 ss:$0x81] =	vst.msk $0xffff, v0;
	s15 =	smov.u32 s17;
	s17 =	sadd.s32 $0x4, s17  }
.Ltmp3:
0x35: {  	v0 =	vld [tilespmem:s18+$0xFFFFFFF0];
	(pc) =	sbr.rel @p1 .LBB1_3-.Ltmp3, $4  }
0x36: {  	_ = 	snop  }
0x37: {  	s15 =	sshra.s32 s15, $0x2  }
0x38: {  	s15 =	sadd.s32 s15, s16  }
0x39: {  	s18 =	sadd.s32 $0x20, s18;
	[tilespmem:s15+$0x810 ss:$0x81] =	vst.msk $0xffff, v1  }
.Ltmp4:
0x3a: {  	_ = 	snop;
	(pc) =	sbr.rel .LBB1_4-.Ltmp4, $1  }
0x3b: {  	_ =	sdelay $0x3  }
.LBB1_6:
0x3c: {  	_ =	sfence.sel $0x180000  }
0x3d: {  	s2 =	simm.s32 $0x1;
	[bflag:$0x0] =	sbarrier.arrive $0xFFFF  }
0x3e: {  	s31 =	simm.s32 $0x2;
	[sflag:s2] =	ssyncpa.u1 $0x1  }
0x3f: {  	[sflag:s31] =	ssyncpa.u1 $0x1  }
0x40: {  	p0 =	sne.s32 s0, $0x0;
	_ =	strace $0x9000004A  }
0x41: {  	s0 =	sadd.s32 @!p0 $0x100000, s1;
	[bflag:$0x2] =	sbarrier.arrive $0xFFFF  }
0x42: {  	[sflag:s0] =	ssyncadd.tile.s32 @!p0 $0x1;
	_ =	shalt  }
.Lfunc_end1:
_tile_overlayer_lowered:
.L_overlay_start_2:
0x43: {  	(tag) =	ssettag $0x2  }
0x44: {  	s0 =	rddreg [dreg:$0x0];
	s2 =	stileid.u32  }
0x45: {  	s1 =	rddreg [dreg:$0x1];
	p0 =	sne.s32 s2, $0x0  }
0x46: {  	s3 =	rddreg [dreg:$0x2];
	[bflag:$0x3] =	sbarrier.arrive $0xFFFF;
	s2 =	simm.s32 @!p0 $0x1C01  }
0x47: {  	[timem:s3], [sflag:s2] =	dma.local @!p0 [hbm:s0], s1  }
0x48: {  	s0 =	simm.s32 @!p0 $0x1  }
0x49: {  	_ =	swait.ge @!p0 [sflag:s0], s1  }
0x4a: {  	s1 =	ssub.s32 @!p0 $0x0, s1;
	[sflag:s0] =	ssyncset.done @!p0 $0x0  }
0x4b: {  	[sflag:s0] =	ssyncadd.s32 @!p0 s1  }
0x4c: {  	[bflag:$0x3] =	sbarrier.arrive $0xFFFF  }
0x4d: {  	_ =	shalt  }

</sc_bundles>
